<compile_context>
chip_gen: v7x
topology: tpu7x:2x2x1
jax: 0.10.2.dev20260603
libtpu: 0.0.44.dev20260713+nightly
codegen_flags: <defaults>
</compile_context>

<pallas_src>
import functools

import jax
import jax.numpy as jnp
from jax import lax
from jax.experimental import pallas as pl
from jax.experimental.pallas import tpu as pltpu
from jax.experimental.pallas import tpu_sc as plsc

NC = 2
NS = 16
NW = NC * NS
CHUNK = 128
LANES = 16
MAXCH = 129


def _bc(x, dtype):
    return lax.broadcast_in_dim(x.astype(dtype), (LANES,), ())


def _sc_update(B, D):
    mesh = plsc.VectorSubcoreMesh(core_axis_name="c", subcore_axis_name="s")

    @functools.partial(
        pl.kernel,
        out_type=(),
        mesh=mesh,
        compiler_params=pltpu.CompilerParams(
            needs_layout_passes=False, use_tc_tiling_on_sc=False),
        scratch_types=[
            pltpu.VMEM((CHUNK,), jnp.int32),
            pltpu.VMEM((CHUNK,), jnp.int32),
            pltpu.VMEM((CHUNK, D), jnp.float32),
            pltpu.VMEM((CHUNK, D), jnp.float32),
            pltpu.VMEM((LANES,), jnp.float32),
            pltpu.VMEM((LANES,), jnp.int32),
            pltpu.VMEM((LANES,), jnp.int32),
            pltpu.SemaphoreType.DMA,
        ],
    )
    def body(idx_hbm, pos_hbm, off_hbm, cnt_hbm, mem_hbm, mom_hbm, table,
             idxv, posv, oldv, newv, momv, offv, cntv, sem):
        c = lax.axis_index("c")
        s = lax.axis_index("s")
        w = s * NC + c
        pltpu.sync_copy(mom_hbm, momv)
        pltpu.sync_copy(off_hbm.at[w], offv)
        pltpu.sync_copy(cnt_hbm.at[w], cntv)
        mval = momv[...]
        one_m = 1.0 - mval
        off = jnp.max(offv[...])
        cnt = jnp.max(cntv[...])
        end = off + cnt
        start = off & -8
        iota16 = lax.iota(jnp.int32, LANES)

        @pl.loop(0, MAXCH)
        def _chunk(j):
            base = pl.multiple_of(start + j * CHUNK, 8)

            @pl.when((cnt > 0) & (base < end))
            def _():
                pltpu.sync_copy(idx_hbm.at[pl.ds(base, CHUNK)], idxv)
                pltpu.sync_copy(pos_hbm.at[pl.ds(base, CHUNK)], posv)
                fv = jnp.maximum(off - base, 0)
                sel0 = iota16 == _bc(fv, jnp.int32)
                v0 = idxv[pl.ds(0, LANES)]
                p0 = posv[pl.ds(0, LANES)]
                fb_i = _bc(jnp.sum(jnp.where(sel0, v0, 0)), jnp.int32)
                fb_p = _bc(jnp.sum(jnp.where(sel0, p0, 0)), jnp.int32)
                for k in range(CHUNK // LANES):
                    g = iota16 + _bc(base + k * LANES, jnp.int32)
                    valid = (g >= _bc(off, jnp.int32)) & (
                        g < _bc(end, jnp.int32))
                    vk = idxv[pl.ds(k * LANES, LANES)]
                    pk = posv[pl.ds(k * LANES, LANES)]
                    idxv[pl.ds(k * LANES, LANES)] = jnp.where(valid, vk, fb_i)
                    posv[pl.ds(k * LANES, LANES)] = jnp.where(valid, pk, fb_p)

                pltpu.async_copy(table.at[idxv], oldv, sem).wait()
                pltpu.async_copy(mem_hbm.at[posv], newv, sem).wait()

                @pl.loop(0, CHUNK)
                def _row(r):
                    acc = jnp.zeros((LANES,), jnp.float32)
                    for k in range(D // LANES):
                        o = oldv[r, pl.ds(k * LANES, LANES)]
                        n = newv[r, pl.ds(k * LANES, LANES)]
                        u = o * one_m + n * mval
                        oldv[r, pl.ds(k * LANES, LANES)] = u
                        acc = acc + u * u
                    ssum = jnp.sum(acc)
                    sv = lax.broadcast_in_dim(ssum, (LANES,), ())
                    iv = plsc.bitcast(sv, jnp.int32)
                    iv = jnp.int32(0x5F3759DF) - lax.shift_right_logical(iv, 1)
                    y = plsc.bitcast(iv, jnp.float32)
                    for _ in range(3):
                        y = y * (1.5 - 0.5 * sv * y * y)
                    for k in range(D // LANES):
                        oldv[r, pl.ds(k * LANES, LANES)] = (
                            oldv[r, pl.ds(k * LANES, LANES)] * y)

                pltpu.async_copy(oldv, table.at[idxv], sem).wait()

    return body


def kernel(mem, momentum, ind, time, memory):
    mem2 = mem.reshape(mem.shape[0], -1)
    B, D = mem2.shape
    L = memory.shape[0]
    ind32 = ind.astype(jnp.int32)
    R = L // NW

    iota = jnp.arange(B, dtype=jnp.int32)
    pos_table = jnp.zeros((L,), jnp.int32).at[ind32].set(iota)
    winner_pos = pos_table[ind32]
    keep = winner_pos == iota

    owner = ind32 // R
    order = jnp.argsort(jnp.where(keep, owner, NW), stable=True).astype(
        jnp.int32)
    ind_s = ind32[order]
    counts = jnp.zeros((NW,), jnp.int32).at[owner].add(keep.astype(jnp.int32))
    offs = jnp.cumsum(counts).astype(jnp.int32) - counts

    pad_i = jnp.broadcast_to(ind_s[-1:], (CHUNK,))
    pad_p = jnp.broadcast_to(order[-1:], (CHUNK,))
    ind_p = jnp.concatenate([ind_s, pad_i])
    pos_p = jnp.concatenate([order, pad_p])
    off16 = jnp.broadcast_to(offs[:, None], (NW, LANES))
    cnt16 = jnp.broadcast_to(counts[:, None], (NW, LANES))
    mom16 = jnp.full((LANES,), momentum, jnp.float32)

    table_ref = jax.new_ref(memory)
    _sc_update(B, D)(ind_p, pos_p, off16, cnt16, mem2, mom16, table_ref)
    return jax.freeze(table_ref)

# --- scband reference (transcript-rebuilt; emitter-appended) ---
"""Pipeline reference for scband-memory1-d-89567247991083 (READ-ONLY COPY).

The authoritative reference and input builder live on the scoring server;
editing this copy changes nothing except your own understanding.
"""

import jax, jax.numpy as jnp
import numpy as np

LENGTH = 1000000
DIM = 64
B = 16384


def setup_inputs(seed: int = 0) -> dict:
    key = jax.random.key(seed)
    k1, k2, k3 = jax.random.split(key, 3)
    stdv = 1.0 / np.sqrt(DIM / 3.0)
    # buffer initialized as rand(length, dim) * 2*stdv - stdv
    memory = jax.random.uniform(k1, (LENGTH, DIM), dtype=jnp.float32) * (2 * stdv) - stdv
    mem = jax.random.normal(k2, (B, DIM), dtype=jnp.float32)
    momentum = jnp.float32(0.5)
    ind = jax.random.randint(k3, (B,), 0, LENGTH, dtype=jnp.int32)
    time = jnp.zeros((B,), dtype=jnp.int32)
    return {"mem": mem, "momentum": momentum, "ind": ind, "time": time, "memory": memory}


def reference(mem, momentum, ind, time, memory):
    # Memory1D.update(mem, momentum, ind, time) with NUM_GPUS == 1
    mem2 = mem.reshape(mem.shape[0], -1)
    ind = ind.astype(jnp.int32)
    # get(): gather rows of the memory bank
    mem_old = jnp.take(memory, ind, axis=0)
    # momentum blend
    mem_update = mem_old * (1.0 - momentum) + mem2 * momentum
    # Normalize(power=2, dim=1): x / (sum(x^2, dim=1, keepdim)^(1/2))
    norm = jnp.power(jnp.sum(jnp.power(mem_update, 2.0), axis=1, keepdims=True), 0.5)
    mem_update = mem_update / norm
    # index_copy_: scatter-overwrite rows
    new_memory = memory.at[ind].set(mem_update)
    return new_memory

if __name__ == "__main__":
    import jax
    _d = setup_inputs()
    print(jax.jit(kernel)(*tuple(_d.values())))

</pallas_src>

<mosaic_0001>
#map = affine_map<(d0, d1) -> (0)>
#map1 = affine_map<(d0, d1) -> (0, 0)>
module attributes {stable_mosaic.version = 14 : i64} {
  func.func @new_body(%arg0: i32, %arg1: i32, %arg2: memref<16512xi32, #tpu.memory_space<hbm>>, %arg3: memref<16512xi32, #tpu.memory_space<hbm>>, %arg4: memref<32x16xi32, #tpu.memory_space<hbm>>, %arg5: memref<32x16xi32, #tpu.memory_space<hbm>>, %arg6: memref<16384x64xf32, #tpu.memory_space<hbm>>, %arg7: memref<16xf32, #tpu.memory_space<hbm>>, %arg8: memref<1000000x64xf32, #tpu.memory_space<hbm>>, %arg9: memref<1000000x64xf32, #tpu.memory_space<hbm>>, %arg10: memref<128xi32, #tpu.memory_space<vmem>>, %arg11: memref<128xi32, #tpu.memory_space<vmem>>, %arg12: memref<128x64xf32, #tpu.memory_space<vmem>>, %arg13: memref<128x64xf32, #tpu.memory_space<vmem>>, %arg14: memref<16xf32, #tpu.memory_space<vmem>>, %arg15: memref<16xi32, #tpu.memory_space<vmem>>, %arg16: memref<16xi32, #tpu.memory_space<vmem>>, %arg17: memref<!tpu.dma_semaphore, #tpu.memory_space<semaphore_mem>>) attributes {dimension_semantics = [#tpu.dimension_semantics<core_parallel>, #tpu.dimension_semantics<subcore_parallel>], iteration_bounds = array<i64: 2, 16>, scalar_prefetch = 0 : i64, scratch_operands = 8 : i64, tpu.core_type = #tpu.core_type<sc_vector_subcore>, window_params = [{transform_indices = #map}, {transform_indices = #map}, {transform_indices = #map1}, {transform_indices = #map1}, {transform_indices = #map1}, {transform_indices = #map}, {transform_indices = #map1}, {transform_indices = #map1}]} {
    %mul3A = arith.constant 2 : i32
    %mul3A_0 = arith.muli %arg1, %mul3A : i32
    %add3A = arith.addi %mul3A_0, %arg0 : i32
    "tpu.region"() ({
      %run_scoped3A = tpu.sem_alloc : memref<!tpu.dma_semaphore, #tpu.memory_space<semaphore_mem>>
      tpu.enqueue_dma source(%arg7 : memref<16xf32, #tpu.memory_space<hbm>>) target(%arg14 : memref<16xf32, #tpu.memory_space<vmem>>) target_semaphore(%run_scoped3A : memref<!tpu.dma_semaphore, #tpu.memory_space<semaphore_mem>>)
      tpu.wait_dma2 semaphore(%run_scoped3A : memref<!tpu.dma_semaphore, #tpu.memory_space<semaphore_mem>>) src(%arg7 : memref<16xf32, #tpu.memory_space<hbm>>) dst(%arg14 : memref<16xf32, #tpu.memory_space<vmem>>)
      tpu.yield
    }) : () -> ()
    "tpu.region"() ({
      %run_scoped3A = tpu.sem_alloc : memref<!tpu.dma_semaphore, #tpu.memory_space<semaphore_mem>>
      %dma_start3A = arith.constant 0 : i32
      %dma_start3A_29 = tpu.memref_slice %arg4[%add3A, %dma_start3A] : memref<32x16xi32, #tpu.memory_space<hbm>> -> memref<1x16xi32, #tpu.memory_space<hbm>>
      %dma_start3A_30 = tpu.memref_squeeze %dma_start3A_29 : memref<1x16xi32, #tpu.memory_space<hbm>> -> memref<16xi32, #tpu.memory_space<hbm>>
      %dma_start3A_31 = arith.constant 0 : i32
      %dma_start3A_32 = tpu.memref_slice %arg4[%add3A, %dma_start3A_31] : memref<32x16xi32, #tpu.memory_space<hbm>> -> memref<1x16xi32, #tpu.memory_space<hbm>>
      %dma_start3A_33 = tpu.memref_squeeze %dma_start3A_32 : memref<1x16xi32, #tpu.memory_space<hbm>> -> memref<16xi32, #tpu.memory_space<hbm>>
      tpu.enqueue_dma source(%dma_start3A_33 : memref<16xi32, #tpu.memory_space<hbm>>) target(%arg15 : memref<16xi32, #tpu.memory_space<vmem>>) target_semaphore(%run_scoped3A : memref<!tpu.dma_semaphore, #tpu.memory_space<semaphore_mem>>)
      %dma_wait3A = arith.constant 0 : i32
      %dma_wait3A_34 = tpu.memref_slice %arg4[%add3A, %dma_wait3A] : memref<32x16xi32, #tpu.memory_space<hbm>> -> memref<1x16xi32, #tpu.memory_space<hbm>>
      %dma_wait3A_35 = tpu.memref_squeeze %dma_wait3A_34 : memref<1x16xi32, #tpu.memory_space<hbm>> -> memref<16xi32, #tpu.memory_space<hbm>>
      %dma_wait3A_36 = arith.constant 0 : i32
      %dma_wait3A_37 = tpu.memref_slice %arg4[%add3A, %dma_wait3A_36] : memref<32x16xi32, #tpu.memory_space<hbm>> -> memref<1x16xi32, #tpu.memory_space<hbm>>
      %dma_wait3A_38 = tpu.memref_squeeze %dma_wait3A_37 : memref<1x16xi32, #tpu.memory_space<hbm>> -> memref<16xi32, #tpu.memory_space<hbm>>
      tpu.wait_dma2 semaphore(%run_scoped3A : memref<!tpu.dma_semaphore, #tpu.memory_space<semaphore_mem>>) src(%dma_wait3A_38 : memref<16xi32, #tpu.memory_space<hbm>>) dst(%arg15 : memref<16xi32, #tpu.memory_space<vmem>>)
      tpu.yield
    }) : () -> ()
    "tpu.region"() ({
      %run_scoped3A = tpu.sem_alloc : memref<!tpu.dma_semaphore, #tpu.memory_space<semaphore_mem>>
      %dma_start3A = arith.constant 0 : i32
      %dma_start3A_29 = tpu.memref_slice %arg5[%add3A, %dma_start3A] : memref<32x16xi32, #tpu.memory_space<hbm>> -> memref<1x16xi32, #tpu.memory_space<hbm>>
      %dma_start3A_30 = tpu.memref_squeeze %dma_start3A_29 : memref<1x16xi32, #tpu.memory_space<hbm>> -> memref<16xi32, #tpu.memory_space<hbm>>
      %dma_start3A_31 = arith.constant 0 : i32
      %dma_start3A_32 = tpu.memref_slice %arg5[%add3A, %dma_start3A_31] : memref<32x16xi32, #tpu.memory_space<hbm>> -> memref<1x16xi32, #tpu.memory_space<hbm>>
      %dma_start3A_33 = tpu.memref_squeeze %dma_start3A_32 : memref<1x16xi32, #tpu.memory_space<hbm>> -> memref<16xi32, #tpu.memory_space<hbm>>
      tpu.enqueue_dma source(%dma_start3A_33 : memref<16xi32, #tpu.memory_space<hbm>>) target(%arg16 : memref<16xi32, #tpu.memory_space<vmem>>) target_semaphore(%run_scoped3A : memref<!tpu.dma_semaphore, #tpu.memory_space<semaphore_mem>>)
      %dma_wait3A = arith.constant 0 : i32
      %dma_wait3A_34 = tpu.memref_slice %arg5[%add3A, %dma_wait3A] : memref<32x16xi32, #tpu.memory_space<hbm>> -> memref<1x16xi32, #tpu.memory_space<hbm>>
      %dma_wait3A_35 = tpu.memref_squeeze %dma_wait3A_34 : memref<1x16xi32, #tpu.memory_space<hbm>> -> memref<16xi32, #tpu.memory_space<hbm>>
      %dma_wait3A_36 = arith.constant 0 : i32
      %dma_wait3A_37 = tpu.memref_slice %arg5[%add3A, %dma_wait3A_36] : memref<32x16xi32, #tpu.memory_space<hbm>> -> memref<1x16xi32, #tpu.memory_space<hbm>>
      %dma_wait3A_38 = tpu.memref_squeeze %dma_wait3A_37 : memref<1x16xi32, #tpu.memory_space<hbm>> -> memref<16xi32, #tpu.memory_space<hbm>>
      tpu.wait_dma2 semaphore(%run_scoped3A : memref<!tpu.dma_semaphore, #tpu.memory_space<semaphore_mem>>) src(%dma_wait3A_38 : memref<16xi32, #tpu.memory_space<hbm>>) dst(%arg16 : memref<16xi32, #tpu.memory_space<vmem>>)
      tpu.yield
    }) : () -> ()
    %get3A = arith.constant 0 : index
    %get3A_1 = tpu.vector_load %arg14[%get3A] {strides = array<i32>} : memref<16xf32, #tpu.memory_space<vmem>>, vector<16xf32>,
    %sub3A = arith.constant 1.000000e+00 : f32
    %sub3A_2 = vector.broadcast %sub3A : f32 to vector<16xf32>
    %sub3A_3 = arith.subf %sub3A_2, %get3A_1 : vector<16xf32>
    %get3A_4 = arith.constant 0 : index
    %get3A_5 = tpu.vector_load %arg15[%get3A_4] {strides = array<i32>} : memref<16xi32, #tpu.memory_space<vmem>>, vector<16xi32>,
    %reduce_max3A = arith.constant true
    %reduce_max3A_6 = vector.broadcast %reduce_max3A : i1 to vector<16xi1>
    %reduce_max3A_7 = arith.constant -2147483648 : i32
    %reduce_max3A_8 = vector.broadcast %reduce_max3A_7 : i32 to vector<16xi32>
    %reduce_max3A_9 = arith.xori %get3A_5, %reduce_max3A_8 : vector<16xi32>
    %reduce_max3A_10 = tpu.scan <max>, %reduce_max3A_9 masked %reduce_max3A_6 : vector<16xi32>, vector<16xi1> -> vector<16xi32>
    %reduce_max3A_11 = arith.xori %reduce_max3A_10, %reduce_max3A_8 : vector<16xi32>
    %reduce_max3A_12 = vector.extract %reduce_max3A_11[15] : i32 from vector<16xi32>
    %get3A_13 = arith.constant 0 : index
    %get3A_14 = tpu.vector_load %arg16[%get3A_13] {strides = array<i32>} : memref<16xi32, #tpu.memory_space<vmem>>, vector<16xi32>,
    %reduce_max3A_15 = arith.constant true
    %reduce_max3A_16 = vector.broadcast %reduce_max3A_15 : i1 to vector<16xi1>
    %reduce_max3A_17 = arith.constant -2147483648 : i32
    %reduce_max3A_18 = vector.broadcast %reduce_max3A_17 : i32 to vector<16xi32>
    %reduce_max3A_19 = arith.xori %get3A_14, %reduce_max3A_18 : vector<16xi32>
    %reduce_max3A_20 = tpu.scan <max>, %reduce_max3A_19 masked %reduce_max3A_16 : vector<16xi32>, vector<16xi1> -> vector<16xi32>
    %reduce_max3A_21 = arith.xori %reduce_max3A_20, %reduce_max3A_18 : vector<16xi32>
    %reduce_max3A_22 = vector.extract %reduce_max3A_21[15] : i32 from vector<16xi32>
    %add3A_23 = arith.addi %reduce_max3A_12, %reduce_max3A_22 : i32
    %and3A = arith.constant -8 : i32
    %and3A_24 = arith.andi %reduce_max3A_12, %and3A : i32
    %iota3A = tpu.iota {dimensions = array<i32: 0>} : vector<16xi32>
    %scan3A = arith.constant 0 : i32
    %scan3A_25 = arith.constant 129 : i32
    %scan3A_26 = arith.addi %scan3A, %scan3A_25 : i32
    %scan3A_27 = arith.constant 1 : i32
    scf.for %scan3A_29 = %scan3A to %scan3A_26 step %scan3A_27  : i32 {
      %mul3A_30 = arith.constant 1 : i32
      %mul3A_31 = arith.muli %scan3A_29, %mul3A_30 : i32
      %add3A_32 = arith.constant 0 : i32
      %add3A_33 = arith.addi %add3A_32, %mul3A_31 : i32
      %mul3A_34 = arith.constant 128 : i32
      %mul3A_35 = arith.muli %add3A_33, %mul3A_34 : i32
      %add3A_36 = arith.addi %and3A_24, %mul3A_35 : i32
      %multiple_of3A = tpu.assume_multiple %add3A_36, 8 : i32
      %gt3A = arith.constant 0 : i32
      %gt3A_37 = arith.cmpi sgt, %reduce_max3A_22, %gt3A : i32
      %lt3A = arith.cmpi slt, %multiple_of3A, %add3A_23 : i32
      %and3A_38 = arith.andi %gt3A_37, %lt3A : i1
      %convert_element_type3A = arith.extui %and3A_38 : i1 to i32
      %cond3A = arith.constant 0 : i32
      %cond3A_39 = arith.cmpi ne, %convert_element_type3A, %cond3A : i32
      scf.if %cond3A_39 {
        "tpu.region"() ({
          %run_scoped3A = tpu.sem_alloc : memref<!tpu.dma_semaphore, #tpu.memory_space<semaphore_mem>>
          %dma_start3A_230 = tpu.memref_slice %arg2[%multiple_of3A] : memref<16512xi32, #tpu.memory_space<hbm>> -> memref<128xi32, #tpu.memory_space<hbm>>
          %dma_start3A_231 = tpu.memref_slice %arg2[%multiple_of3A] : memref<16512xi32, #tpu.memory_space<hbm>> -> memref<128xi32, #tpu.memory_space<hbm>>
          tpu.enqueue_dma source(%dma_start3A_231 : memref<128xi32, #tpu.memory_space<hbm>>) target(%arg10 : memref<128xi32, #tpu.memory_space<vmem>>) target_semaphore(%run_scoped3A : memref<!tpu.dma_semaphore, #tpu.memory_space<semaphore_mem>>)
          %dma_wait3A_232 = tpu.memref_slice %arg2[%multiple_of3A] : memref<16512xi32, #tpu.memory_space<hbm>> -> memref<128xi32, #tpu.memory_space<hbm>>
          %dma_wait3A_233 = tpu.memref_slice %arg2[%multiple_of3A] : memref<16512xi32, #tpu.memory_space<hbm>> -> memref<128xi32, #tpu.memory_space<hbm>>
          tpu.wait_dma2 semaphore(%run_scoped3A : memref<!tpu.dma_semaphore, #tpu.memory_space<semaphore_mem>>) src(%dma_wait3A_233 : memref<128xi32, #tpu.memory_space<hbm>>) dst(%arg10 : memref<128xi32, #tpu.memory_space<vmem>>)
          tpu.yield
        }) : () -> ()
        "tpu.region"() ({
          %run_scoped3A = tpu.sem_alloc : memref<!tpu.dma_semaphore, #tpu.memory_space<semaphore_mem>>
          %dma_start3A_230 = tpu.memref_slice %arg3[%multiple_of3A] : memref<16512xi32, #tpu.memory_space<hbm>> -> memref<128xi32, #tpu.memory_space<hbm>>
          %dma_start3A_231 = tpu.memref_slice %arg3[%multiple_of3A] : memref<16512xi32, #tpu.memory_space<hbm>> -> memref<128xi32, #tpu.memory_space<hbm>>
          tpu.enqueue_dma source(%dma_start3A_231 : memref<128xi32, #tpu.memory_space<hbm>>) target(%arg11 : memref<128xi32, #tpu.memory_space<vmem>>) target_semaphore(%run_scoped3A : memref<!tpu.dma_semaphore, #tpu.memory_space<semaphore_mem>>)
          %dma_wait3A_232 = tpu.memref_slice %arg3[%multiple_of3A] : memref<16512xi32, #tpu.memory_space<hbm>> -> memref<128xi32, #tpu.memory_space<hbm>>
          %dma_wait3A_233 = tpu.memref_slice %arg3[%multiple_of3A] : memref<16512xi32, #tpu.memory_space<hbm>> -> memref<128xi32, #tpu.memory_space<hbm>>
          tpu.wait_dma2 semaphore(%run_scoped3A : memref<!tpu.dma_semaphore, #tpu.memory_space<semaphore_mem>>) src(%dma_wait3A_233 : memref<128xi32, #tpu.memory_space<hbm>>) dst(%arg11 : memref<128xi32, #tpu.memory_space<vmem>>)
          tpu.yield
        }) : () -> ()
        %sub3A_40 = arith.subi %reduce_max3A_12, %multiple_of3A : i32
        %max3A = arith.constant 0 : i32
        %max3A_41 = arith.maxsi %sub3A_40, %max3A : i32
        %broadcast_in_dim3A = vector.broadcast %max3A_41 : i32 to vector<16xi32>
        %eq3A = arith.cmpi eq, %iota3A, %broadcast_in_dim3A : vector<16xi32>
        %get3A_42 = arith.constant 0 : index
        %get3A_43 = tpu.vector_load %arg10[%get3A_42] {strides = array<i32>} : memref<128xi32, #tpu.memory_space<vmem>>, vector<16xi32>,
        %get3A_44 = arith.constant 0 : index
        %get3A_45 = tpu.vector_load %arg11[%get3A_44] {strides = array<i32>} : memref<128xi32, #tpu.memory_space<vmem>>, vector<16xi32>,
        %jit3A = arith.constant 0 : i32
        %broadcast_in_dim3A_46 = vector.broadcast %jit3A : i32 to vector<16xi32>
        %select_n3A = arith.select %eq3A, %get3A_43, %broadcast_in_dim3A_46 : vector<16xi1>, vector<16xi32>
        %reduce_sum3A = arith.constant true
        %reduce_sum3A_47 = vector.broadcast %reduce_sum3A : i1 to vector<16xi1>
        %reduce_sum3A_48 = tpu.scan <sum>, %select_n3A masked %reduce_sum3A_47 : vector<16xi32>, vector<16xi1> -> vector<16xi32>
        %reduce_sum3A_49 = vector.extract %reduce_sum3A_48[15] : i32 from vector<16xi32>
        %broadcast_in_dim3A_50 = vector.broadcast %reduce_sum3A_49 : i32 to vector<16xi32>
        %jit3A_51 = arith.constant 0 : i32
        %broadcast_in_dim3A_52 = vector.broadcast %jit3A_51 : i32 to vector<16xi32>
        %select_n3A_53 = arith.select %eq3A, %get3A_45, %broadcast_in_dim3A_52 : vector<16xi1>, vector<16xi32>
        %reduce_sum3A_54 = arith.constant true
        %reduce_sum3A_55 = vector.broadcast %reduce_sum3A_54 : i1 to vector<16xi1>
        %reduce_sum3A_56 = tpu.scan <sum>, %select_n3A_53 masked %reduce_sum3A_55 : vector<16xi32>, vector<16xi1> -> vector<16xi32>
        %reduce_sum3A_57 = vector.extract %reduce_sum3A_56[15] : i32 from vector<16xi32>
        %broadcast_in_dim3A_58 = vector.broadcast %reduce_sum3A_57 : i32 to vector<16xi32>
        %add3A_59 = arith.constant 0 : i32
        %add3A_60 = arith.addi %multiple_of3A, %add3A_59 : i32
        %broadcast_in_dim3A_61 = vector.broadcast %add3A_60 : i32 to vector<16xi32>
        %add3A_62 = arith.addi %iota3A, %broadcast_in_dim3A_61 : vector<16xi32>
        %broadcast_in_dim3A_63 = vector.broadcast %reduce_max3A_12 : i32 to vector<16xi32>
        %ge3A = arith.cmpi sge, %add3A_62, %broadcast_in_dim3A_63 : vector<16xi32>
        %broadcast_in_dim3A_64 = vector.broadcast %add3A_23 : i32 to vector<16xi32>
        %lt3A_65 = arith.cmpi slt, %add3A_62, %broadcast_in_dim3A_64 : vector<16xi32>
        %and3A_66 = arith.andi %ge3A, %lt3A_65 : vector<16xi1>
        %get3A_67 = arith.constant 0 : index
        %get3A_68 = tpu.vector_load %arg10[%get3A_67] {strides = array<i32>} : memref<128xi32, #tpu.memory_space<vmem>>, vector<16xi32>,
        %get3A_69 = arith.constant 0 : index
        %get3A_70 = tpu.vector_load %arg11[%get3A_69] {strides = array<i32>} : memref<128xi32, #tpu.memory_space<vmem>>, vector<16xi32>,
        %select_n3A_71 = arith.select %and3A_66, %get3A_68, %broadcast_in_dim3A_50 : vector<16xi1>, vector<16xi32>
        %swap3A = arith.constant 0 : index
        %swap3A_72 = tpu.vector_load %arg10[%swap3A] {strides = array<i32>} : memref<128xi32, #tpu.memory_space<vmem>>, vector<16xi32>,
        tpu.vector_store %arg10[%swap3A], %select_n3A_71 {strides = array<i32>} : memref<128xi32, #tpu.memory_space<vmem>>, vector<16xi32>,
        %select_n3A_73 = arith.select %and3A_66, %get3A_70, %broadcast_in_dim3A_58 : vector<16xi1>, vector<16xi32>
        %swap3A_74 = arith.constant 0 : index
        %swap3A_75 = tpu.vector_load %arg11[%swap3A_74] {strides = array<i32>} : memref<128xi32, #tpu.memory_space<vmem>>, vector<16xi32>,
        tpu.vector_store %arg11[%swap3A_74], %select_n3A_73 {strides = array<i32>} : memref<128xi32, #tpu.memory_space<vmem>>, vector<16xi32>,
        %add3A_76 = arith.constant 16 : i32
        %add3A_77 = arith.addi %multiple_of3A, %add3A_76 : i32
        %broadcast_in_dim3A_78 = vector.broadcast %add3A_77 : i32 to vector<16xi32>
        %add3A_79 = arith.addi %iota3A, %broadcast_in_dim3A_78 : vector<16xi32>
        %broadcast_in_dim3A_80 = vector.broadcast %reduce_max3A_12 : i32 to vector<16xi32>
        %ge3A_81 = arith.cmpi sge, %add3A_79, %broadcast_in_dim3A_80 : vector<16xi32>
        %broadcast_in_dim3A_82 = vector.broadcast %add3A_23 : i32 to vector<16xi32>
        %lt3A_83 = arith.cmpi slt, %add3A_79, %broadcast_in_dim3A_82 : vector<16xi32>
        %and3A_84 = arith.andi %ge3A_81, %lt3A_83 : vector<16xi1>
        %get3A_85 = arith.constant 16 : index
        %get3A_86 = tpu.vector_load %arg10[%get3A_85] {strides = array<i32>} : memref<128xi32, #tpu.memory_space<vmem>>, vector<16xi32>,
        %get3A_87 = arith.constant 16 : index
        %get3A_88 = tpu.vector_load %arg11[%get3A_87] {strides = array<i32>} : memref<128xi32, #tpu.memory_space<vmem>>, vector<16xi32>,
        %select_n3A_89 = arith.select %and3A_84, %get3A_86, %broadcast_in_dim3A_50 : vector<16xi1>, vector<16xi32>
        %swap3A_90 = arith.constant 16 : index
        %swap3A_91 = tpu.vector_load %arg10[%swap3A_90] {strides = array<i32>} : memref<128xi32, #tpu.memory_space<vmem>>, vector<16xi32>,
        tpu.vector_store %arg10[%swap3A_90], %select_n3A_89 {strides = array<i32>} : memref<128xi32, #tpu.memory_space<vmem>>, vector<16xi32>,
        %select_n3A_92 = arith.select %and3A_84, %get3A_88, %broadcast_in_dim3A_58 : vector<16xi1>, vector<16xi32>
        %swap3A_93 = arith.constant 16 : index
        %swap3A_94 = tpu.vector_load %arg11[%swap3A_93] {strides = array<i32>} : memref<128xi32, #tpu.memory_space<vmem>>, vector<16xi32>,
        tpu.vector_store %arg11[%swap3A_93], %select_n3A_92 {strides = array<i32>} : memref<128xi32, #tpu.memory_space<vmem>>, vector<16xi32>,
        %add3A_95 = arith.constant 32 : i32
        %add3A_96 = arith.addi %multiple_of3A, %add3A_95 : i32
        %broadcast_in_dim3A_97 = vector.broadcast %add3A_96 : i32 to vector<16xi32>
        %add3A_98 = arith.addi %iota3A, %broadcast_in_dim3A_97 : vector<16xi32>
        %broadcast_in_dim3A_99 = vector.broadcast %reduce_max3A_12 : i32 to vector<16xi32>
        %ge3A_100 = arith.cmpi sge, %add3A_98, %broadcast_in_dim3A_99 : vector<16xi32>
        %broadcast_in_dim3A_101 = vector.broadcast %add3A_23 : i32 to vector<16xi32>
        %lt3A_102 = arith.cmpi slt, %add3A_98, %broadcast_in_dim3A_101 : vector<16xi32>
        %and3A_103 = arith.andi %ge3A_100, %lt3A_102 : vector<16xi1>
        %get3A_104 = arith.constant 32 : index
        %get3A_105 = tpu.vector_load %arg10[%get3A_104] {strides = array<i32>} : memref<128xi32, #tpu.memory_space<vmem>>, vector<16xi32>,
        %get3A_106 = arith.constant 32 : index
        %get3A_107 = tpu.vector_load %arg11[%get3A_106] {strides = array<i32>} : memref<128xi32, #tpu.memory_space<vmem>>, vector<16xi32>,
        %select_n3A_108 = arith.select %and3A_103, %get3A_105, %broadcast_in_dim3A_50 : vector<16xi1>, vector<16xi32>
        %swap3A_109 = arith.constant 32 : index
        %swap3A_110 = tpu.vector_load %arg10[%swap3A_109] {strides = array<i32>} : memref<128xi32, #tpu.memory_space<vmem>>, vector<16xi32>,
        tpu.vector_store %arg10[%swap3A_109], %select_n3A_108 {strides = array<i32>} : memref<128xi32, #tpu.memory_space<vmem>>, vector<16xi32>,
        %select_n3A_111 = arith.select %and3A_103, %get3A_107, %broadcast_in_dim3A_58 : vector<16xi1>, vector<16xi32>
        %swap3A_112 = arith.constant 32 : index
        %swap3A_113 = tpu.vector_load %arg11[%swap3A_112] {strides = array<i32>} : memref<128xi32, #tpu.memory_space<vmem>>, vector<16xi32>,
        tpu.vector_store %arg11[%swap3A_112], %select_n3A_111 {strides = array<i32>} : memref<128xi32, #tpu.memory_space<vmem>>, vector<16xi32>,
        %add3A_114 = arith.constant 48 : i32
        %add3A_115 = arith.addi %multiple_of3A, %add3A_114 : i32
        %broadcast_in_dim3A_116 = vector.broadcast %add3A_115 : i32 to vector<16xi32>
        %add3A_117 = arith.addi %iota3A, %broadcast_in_dim3A_116 : vector<16xi32>
        %broadcast_in_dim3A_118 = vector.broadcast %reduce_max3A_12 : i32 to vector<16xi32>
        %ge3A_119 = arith.cmpi sge, %add3A_117, %broadcast_in_dim3A_118 : vector<16xi32>
        %broadcast_in_dim3A_120 = vector.broadcast %add3A_23 : i32 to vector<16xi32>
        %lt3A_121 = arith.cmpi slt, %add3A_117, %broadcast_in_dim3A_120 : vector<16xi32>
        %and3A_122 = arith.andi %ge3A_119, %lt3A_121 : vector<16xi1>
        %get3A_123 = arith.constant 48 : index
        %get3A_124 = tpu.vector_load %arg10[%get3A_123] {strides = array<i32>} : memref<128xi32, #tpu.memory_space<vmem>>, vector<16xi32>,
        %get3A_125 = arith.constant 48 : index
        %get3A_126 = tpu.vector_load %arg11[%get3A_125] {strides = array<i32>} : memref<128xi32, #tpu.memory_space<vmem>>, vector<16xi32>,
        %select_n3A_127 = arith.select %and3A_122, %get3A_124, %broadcast_in_dim3A_50 : vector<16xi1>, vector<16xi32>
        %swap3A_128 = arith.constant 48 : index
        %swap3A_129 = tpu.vector_load %arg10[%swap3A_128] {strides = array<i32>} : memref<128xi32, #tpu.memory_space<vmem>>, vector<16xi32>,
        tpu.vector_store %arg10[%swap3A_128], %select_n3A_127 {strides = array<i32>} : memref<128xi32, #tpu.memory_space<vmem>>, vector<16xi32>,
        %select_n3A_130 = arith.select %and3A_122, %get3A_126, %broadcast_in_dim3A_58 : vector<16xi1>, vector<16xi32>
        %swap3A_131 = arith.constant 48 : index
        %swap3A_132 = tpu.vector_load %arg11[%swap3A_131] {strides = array<i32>} : memref<128xi32, #tpu.memory_space<vmem>>, vector<16xi32>,
        tpu.vector_store %arg11[%swap3A_131], %select_n3A_130 {strides = array<i32>} : memref<128xi32, #tpu.memory_space<vmem>>, vector<16xi32>,
        %add3A_133 = arith.constant 64 : i32
        %add3A_134 = arith.addi %multiple_of3A, %add3A_133 : i32
        %broadcast_in_dim3A_135 = vector.broadcast %add3A_134 : i32 to vector<16xi32>
        %add3A_136 = arith.addi %iota3A, %broadcast_in_dim3A_135 : vector<16xi32>
        %broadcast_in_dim3A_137 = vector.broadcast %reduce_max3A_12 : i32 to vector<16xi32>
        %ge3A_138 = arith.cmpi sge, %add3A_136, %broadcast_in_dim3A_137 : vector<16xi32>
        %broadcast_in_dim3A_139 = vector.broadcast %add3A_23 : i32 to vector<16xi32>
        %lt3A_140 = arith.cmpi slt, %add3A_136, %broadcast_in_dim3A_139 : vector<16xi32>
        %and3A_141 = arith.andi %ge3A_138, %lt3A_140 : vector<16xi1>
        %get3A_142 = arith.constant 64 : index
        %get3A_143 = tpu.vector_load %arg10[%get3A_142] {strides = array<i32>} : memref<128xi32, #tpu.memory_space<vmem>>, vector<16xi32>,
        %get3A_144 = arith.constant 64 : index
        %get3A_145 = tpu.vector_load %arg11[%get3A_144] {strides = array<i32>} : memref<128xi32, #tpu.memory_space<vmem>>, vector<16xi32>,
        %select_n3A_146 = arith.select %and3A_141, %get3A_143, %broadcast_in_dim3A_50 : vector<16xi1>, vector<16xi32>
        %swap3A_147 = arith.constant 64 : index
        %swap3A_148 = tpu.vector_load %arg10[%swap3A_147] {strides = array<i32>} : memref<128xi32, #tpu.memory_space<vmem>>, vector<16xi32>,
        tpu.vector_store %arg10[%swap3A_147], %select_n3A_146 {strides = array<i32>} : memref<128xi32, #tpu.memory_space<vmem>>, vector<16xi32>,
        %select_n3A_149 = arith.select %and3A_141, %get3A_145, %broadcast_in_dim3A_58 : vector<16xi1>, vector<16xi32>
        %swap3A_150 = arith.constant 64 : index
        %swap3A_151 = tpu.vector_load %arg11[%swap3A_150] {strides = array<i32>} : memref<128xi32, #tpu.memory_space<vmem>>, vector<16xi32>,
        tpu.vector_store %arg11[%swap3A_150], %select_n3A_149 {strides = array<i32>} : memref<128xi32, #tpu.memory_space<vmem>>, vector<16xi32>,
        %add3A_152 = arith.constant 80 : i32
        %add3A_153 = arith.addi %multiple_of3A, %add3A_152 : i32
        %broadcast_in_dim3A_154 = vector.broadcast %add3A_153 : i32 to vector<16xi32>
        %add3A_155 = arith.addi %iota3A, %broadcast_in_dim3A_154 : vector<16xi32>
        %broadcast_in_dim3A_156 = vector.broadcast %reduce_max3A_12 : i32 to vector<16xi32>
        %ge3A_157 = arith.cmpi sge, %add3A_155, %broadcast_in_dim3A_156 : vector<16xi32>
        %broadcast_in_dim3A_158 = vector.broadcast %add3A_23 : i32 to vector<16xi32>
        %lt3A_159 = arith.cmpi slt, %add3A_155, %broadcast_in_dim3A_158 : vector<16xi32>
        %and3A_160 = arith.andi %ge3A_157, %lt3A_159 : vector<16xi1>
        %get3A_161 = arith.constant 80 : index
        %get3A_162 = tpu.vector_load %arg10[%get3A_161] {strides = array<i32>} : memref<128xi32, #tpu.memory_space<vmem>>, vector<16xi32>,
        %get3A_163 = arith.constant 80 : index
        %get3A_164 = tpu.vector_load %arg11[%get3A_163] {strides = array<i32>} : memref<128xi32, #tpu.memory_space<vmem>>, vector<16xi32>,
        %select_n3A_165 = arith.select %and3A_160, %get3A_162, %broadcast_in_dim3A_50 : vector<16xi1>, vector<16xi32>
        %swap3A_166 = arith.constant 80 : index
        %swap3A_167 = tpu.vector_load %arg10[%swap3A_166] {strides = array<i32>} : memref<128xi32, #tpu.memory_space<vmem>>, vector<16xi32>,
        tpu.vector_store %arg10[%swap3A_166], %select_n3A_165 {strides = array<i32>} : memref<128xi32, #tpu.memory_space<vmem>>, vector<16xi32>,
        %select_n3A_168 = arith.select %and3A_160, %get3A_164, %broadcast_in_dim3A_58 : vector<16xi1>, vector<16xi32>
        %swap3A_169 = arith.constant 80 : index
        %swap3A_170 = tpu.vector_load %arg11[%swap3A_169] {strides = array<i32>} : memref<128xi32, #tpu.memory_space<vmem>>, vector<16xi32>,
        tpu.vector_store %arg11[%swap3A_169], %select_n3A_168 {strides = array<i32>} : memref<128xi32, #tpu.memory_space<vmem>>, vector<16xi32>,
        %add3A_171 = arith.constant 96 : i32
        %add3A_172 = arith.addi %multiple_of3A, %add3A_171 : i32
        %broadcast_in_dim3A_173 = vector.broadcast %add3A_172 : i32 to vector<16xi32>
        %add3A_174 = arith.addi %iota3A, %broadcast_in_dim3A_173 : vector<16xi32>
        %broadcast_in_dim3A_175 = vector.broadcast %reduce_max3A_12 : i32 to vector<16xi32>
        %ge3A_176 = arith.cmpi sge, %add3A_174, %broadcast_in_dim3A_175 : vector<16xi32>
        %broadcast_in_dim3A_177 = vector.broadcast %add3A_23 : i32 to vector<16xi32>
        %lt3A_178 = arith.cmpi slt, %add3A_174, %broadcast_in_dim3A_177 : vector<16xi32>
        %and3A_179 = arith.andi %ge3A_176, %lt3A_178 : vector<16xi1>
        %get3A_180 = arith.constant 96 : index
        %get3A_181 = tpu.vector_load %arg10[%get3A_180] {strides = array<i32>} : memref<128xi32, #tpu.memory_space<vmem>>, vector<16xi32>,
        %get3A_182 = arith.constant 96 : index
        %get3A_183 = tpu.vector_load %arg11[%get3A_182] {strides = array<i32>} : memref<128xi32, #tpu.memory_space<vmem>>, vector<16xi32>,
        %select_n3A_184 = arith.select %and3A_179, %get3A_181, %broadcast_in_dim3A_50 : vector<16xi1>, vector<16xi32>
        %swap3A_185 = arith.constant 96 : index
        %swap3A_186 = tpu.vector_load %arg10[%swap3A_185] {strides = array<i32>} : memref<128xi32, #tpu.memory_space<vmem>>, vector<16xi32>,
        tpu.vector_store %arg10[%swap3A_185], %select_n3A_184 {strides = array<i32>} : memref<128xi32, #tpu.memory_space<vmem>>, vector<16xi32>,
        %select_n3A_187 = arith.select %and3A_179, %get3A_183, %broadcast_in_dim3A_58 : vector<16xi1>, vector<16xi32>
        %swap3A_188 = arith.constant 96 : index
        %swap3A_189 = tpu.vector_load %arg11[%swap3A_188] {strides = array<i32>} : memref<128xi32, #tpu.memory_space<vmem>>, vector<16xi32>,
        tpu.vector_store %arg11[%swap3A_188], %select_n3A_187 {strides = array<i32>} : memref<128xi32, #tpu.memory_space<vmem>>, vector<16xi32>,
        %add3A_190 = arith.constant 112 : i32
        %add3A_191 = arith.addi %multiple_of3A, %add3A_190 : i32
        %broadcast_in_dim3A_192 = vector.broadcast %add3A_191 : i32 to vector<16xi32>
        %add3A_193 = arith.addi %iota3A, %broadcast_in_dim3A_192 : vector<16xi32>
        %broadcast_in_dim3A_194 = vector.broadcast %reduce_max3A_12 : i32 to vector<16xi32>
        %ge3A_195 = arith.cmpi sge, %add3A_193, %broadcast_in_dim3A_194 : vector<16xi32>
        %broadcast_in_dim3A_196 = vector.broadcast %add3A_23 : i32 to vector<16xi32>
        %lt3A_197 = arith.cmpi slt, %add3A_193, %broadcast_in_dim3A_196 : vector<16xi32>
        %and3A_198 = arith.andi %ge3A_195, %lt3A_197 : vector<16xi1>
        %get3A_199 = arith.constant 112 : index
        %get3A_200 = tpu.vector_load %arg10[%get3A_199] {strides = array<i32>} : memref<128xi32, #tpu.memory_space<vmem>>, vector<16xi32>,
        %get3A_201 = arith.constant 112 : index
        %get3A_202 = tpu.vector_load %arg11[%get3A_201] {strides = array<i32>} : memref<128xi32, #tpu.memory_space<vmem>>, vector<16xi32>,
        %select_n3A_203 = arith.select %and3A_198, %get3A_200, %broadcast_in_dim3A_50 : vector<16xi1>, vector<16xi32>
        %swap3A_204 = arith.constant 112 : index
        %swap3A_205 = tpu.vector_load %arg10[%swap3A_204] {strides = array<i32>} : memref<128xi32, #tpu.memory_space<vmem>>, vector<16xi32>,
        tpu.vector_store %arg10[%swap3A_204], %select_n3A_203 {strides = array<i32>} : memref<128xi32, #tpu.memory_space<vmem>>, vector<16xi32>,
        %select_n3A_206 = arith.select %and3A_198, %get3A_202, %broadcast_in_dim3A_58 : vector<16xi1>, vector<16xi32>
        %swap3A_207 = arith.constant 112 : index
        %swap3A_208 = tpu.vector_load %arg11[%swap3A_207] {strides = array<i32>} : memref<128xi32, #tpu.memory_space<vmem>>, vector<16xi32>,
        tpu.vector_store %arg11[%swap3A_207], %select_n3A_206 {strides = array<i32>} : memref<128xi32, #tpu.memory_space<vmem>>, vector<16xi32>,
        %dma_start3A = arith.constant 0 : i32
        %dma_start3A_209 = arith.constant 0 : i32
        %dma_start3A_210 = tpu.memref_slice %arg8[%dma_start3A, %dma_start3A_209] : memref<1000000x64xf32, #tpu.memory_space<hbm>> -> memref<1000000x64xf32, #tpu.memory_space<hbm>>
        tpu.enqueue_indirect_dma source(%dma_start3A_210 : memref<1000000x64xf32, #tpu.memory_space<hbm>>) target(%arg12 : memref<128x64xf32, #tpu.memory_space<vmem>>) offsets(%arg10 : memref<128xi32, #tpu.memory_space<vmem>>) semaphore(%arg17 : memref<!tpu.dma_semaphore, #tpu.memory_space<semaphore_mem>>)
        %dma_wait3A = arith.constant 0 : i32
        %dma_wait3A_211 = arith.constant 0 : i32
        %dma_wait3A_212 = tpu.memref_slice %arg8[%dma_wait3A, %dma_wait3A_211] : memref<1000000x64xf32, #tpu.memory_space<hbm>> -> memref<1000000x64xf32, #tpu.memory_space<hbm>>
        tpu.wait_indirect_dma semaphore(%arg17 : memref<!tpu.dma_semaphore, #tpu.memory_space<semaphore_mem>>) src(%dma_wait3A_212 : memref<1000000x64xf32, #tpu.memory_space<hbm>>) dst(%arg12 : memref<128x64xf32, #tpu.memory_space<vmem>>)
        %dma_start3A_213 = arith.constant 0 : i32
        %dma_start3A_214 = arith.constant 0 : i32
        %dma_start3A_215 = tpu.memref_slice %arg6[%dma_start3A_213, %dma_start3A_214] : memref<16384x64xf32, #tpu.memory_space<hbm>> -> memref<16384x64xf32, #tpu.memory_space<hbm>>
        tpu.enqueue_indirect_dma source(%dma_start3A_215 : memref<16384x64xf32, #tpu.memory_space<hbm>>) target(%arg13 : memref<128x64xf32, #tpu.memory_space<vmem>>) offsets(%arg11 : memref<128xi32, #tpu.memory_space<vmem>>) semaphore(%arg17 : memref<!tpu.dma_semaphore, #tpu.memory_space<semaphore_mem>>)
        %dma_wait3A_216 = arith.constant 0 : i32
        %dma_wait3A_217 = arith.constant 0 : i32
        %dma_wait3A_218 = tpu.memref_slice %arg6[%dma_wait3A_216, %dma_wait3A_217] : memref<16384x64xf32, #tpu.memory_space<hbm>> -> memref<16384x64xf32, #tpu.memory_space<hbm>>
        tpu.wait_indirect_dma semaphore(%arg17 : memref<!tpu.dma_semaphore, #tpu.memory_space<semaphore_mem>>) src(%dma_wait3A_218 : memref<16384x64xf32, #tpu.memory_space<hbm>>) dst(%arg13 : memref<128x64xf32, #tpu.memory_space<vmem>>)
        %scan3A_219 = arith.constant 0 : i32
        %scan3A_220 = arith.constant 128 : i32
        %scan3A_221 = arith.addi %scan3A_219, %scan3A_220 : i32
        %scan3A_222 = arith.constant 1 : i32
        scf.for %scan3A_230 = %scan3A_219 to %scan3A_221 step %scan3A_222  : i32 {
          %mul3A_231 = arith.constant 1 : i32
          %mul3A_232 = arith.muli %scan3A_230, %mul3A_231 : i32
          %add3A_233 = arith.constant 0 : i32
          %add3A_234 = arith.addi %add3A_233, %mul3A_232 : i32
          %broadcast_in_dim3A_235 = arith.constant 0.000000e+00 : f32
          %broadcast_in_dim3A_236 = vector.broadcast %broadcast_in_dim3A_235 : f32 to vector<16xf32>
          %get3A_237 = arith.index_cast %add3A_234 : i32 to index
          %get3A_238 = arith.constant 0 : index
          %get3A_239 = tpu.vector_load %arg12[%get3A_237, %get3A_238] {strides = array<i32>} : memref<128x64xf32, #tpu.memory_space<vmem>>, vector<16xf32>,
          %get3A_240 = arith.index_cast %add3A_234 : i32 to index
          %get3A_241 = arith.constant 0 : index
          %get3A_242 = tpu.vector_load %arg13[%get3A_240, %get3A_241] {strides = array<i32>} : memref<128x64xf32, #tpu.memory_space<vmem>>, vector<16xf32>,
          %mul3A_243 = arith.mulf %get3A_239, %sub3A_3 : vector<16xf32>
          %mul3A_244 = arith.mulf %get3A_242, %get3A_1 : vector<16xf32>
          %add3A_245 = arith.addf %mul3A_243, %mul3A_244 : vector<16xf32>
          %swap3A_246 = arith.index_cast %add3A_234 : i32 to index
          %swap3A_247 = arith.constant 0 : index
          %swap3A_248 = tpu.vector_load %arg12[%swap3A_246, %swap3A_247] {strides = array<i32>} : memref<128x64xf32, #tpu.memory_space<vmem>>, vector<16xf32>,
          tpu.vector_store %arg12[%swap3A_246, %swap3A_247], %add3A_245 {strides = array<i32>} : memref<128x64xf32, #tpu.memory_space<vmem>>, vector<16xf32>,
          %mul3A_249 = arith.mulf %add3A_245, %add3A_245 : vector<16xf32>
          %add3A_250 = arith.addf %broadcast_in_dim3A_236, %mul3A_249 : vector<16xf32>
          %get3A_251 = arith.index_cast %add3A_234 : i32 to index
          %get3A_252 = arith.constant 16 : index
          %get3A_253 = tpu.vector_load %arg12[%get3A_251, %get3A_252] {strides = array<i32>} : memref<128x64xf32, #tpu.memory_space<vmem>>, vector<16xf32>,
          %get3A_254 = arith.index_cast %add3A_234 : i32 to index
          %get3A_255 = arith.constant 16 : index
          %get3A_256 = tpu.vector_load %arg13[%get3A_254, %get3A_255] {strides = array<i32>} : memref<128x64xf32, #tpu.memory_space<vmem>>, vector<16xf32>,
          %mul3A_257 = arith.mulf %get3A_253, %sub3A_3 : vector<16xf32>
          %mul3A_258 = arith.mulf %get3A_256, %get3A_1 : vector<16xf32>
          %add3A_259 = arith.addf %mul3A_257, %mul3A_258 : vector<16xf32>
          %swap3A_260 = arith.index_cast %add3A_234 : i32 to index
          %swap3A_261 = arith.constant 16 : index
          %swap3A_262 = tpu.vector_load %arg12[%swap3A_260, %swap3A_261] {strides = array<i32>} : memref<128x64xf32, #tpu.memory_space<vmem>>, vector<16xf32>,
          tpu.vector_store %arg12[%swap3A_260, %swap3A_261], %add3A_259 {strides = array<i32>} : memref<128x64xf32, #tpu.memory_space<vmem>>, vector<16xf32>,
          %mul3A_263 = arith.mulf %add3A_259, %add3A_259 : vector<16xf32>
          %add3A_264 = arith.addf %add3A_250, %mul3A_263 : vector<16xf32>
          %get3A_265 = arith.index_cast %add3A_234 : i32 to index
          %get3A_266 = arith.constant 32 : index
          %get3A_267 = tpu.vector_load %arg12[%get3A_265, %get3A_266] {strides = array<i32>} : memref<128x64xf32, #tpu.memory_space<vmem>>, vector<16xf32>,
          %get3A_268 = arith.index_cast %add3A_234 : i32 to index
          %get3A_269 = arith.constant 32 : index
          %get3A_270 = tpu.vector_load %arg13[%get3A_268, %get3A_269] {strides = array<i32>} : memref<128x64xf32, #tpu.memory_space<vmem>>, vector<16xf32>,
          %mul3A_271 = arith.mulf %get3A_267, %sub3A_3 : vector<16xf32>
          %mul3A_272 = arith.mulf %get3A_270, %get3A_1 : vector<16xf32>
          %add3A_273 = arith.addf %mul3A_271, %mul3A_272 : vector<16xf32>
          %swap3A_274 = arith.index_cast %add3A_234 : i32 to index
          %swap3A_275 = arith.constant 32 : index
          %swap3A_276 = tpu.vector_load %arg12[%swap3A_274, %swap3A_275] {strides = array<i32>} : memref<128x64xf32, #tpu.memory_space<vmem>>, vector<16xf32>,
          tpu.vector_store %arg12[%swap3A_274, %swap3A_275], %add3A_273 {strides = array<i32>} : memref<128x64xf32, #tpu.memory_space<vmem>>, vector<16xf32>,
          %mul3A_277 = arith.mulf %add3A_273, %add3A_273 : vector<16xf32>
          %add3A_278 = arith.addf %add3A_264, %mul3A_277 : vector<16xf32>
          %get3A_279 = arith.index_cast %add3A_234 : i32 to index
          %get3A_280 = arith.constant 48 : index
          %get3A_281 = tpu.vector_load %arg12[%get3A_279, %get3A_280] {strides = array<i32>} : memref<128x64xf32, #tpu.memory_space<vmem>>, vector<16xf32>,
          %get3A_282 = arith.index_cast %add3A_234 : i32 to index
          %get3A_283 = arith.constant 48 : index
          %get3A_284 = tpu.vector_load %arg13[%get3A_282, %get3A_283] {strides = array<i32>} : memref<128x64xf32, #tpu.memory_space<vmem>>, vector<16xf32>,
          %mul3A_285 = arith.mulf %get3A_281, %sub3A_3 : vector<16xf32>
          %mul3A_286 = arith.mulf %get3A_284, %get3A_1 : vector<16xf32>
          %add3A_287 = arith.addf %mul3A_285, %mul3A_286 : vector<16xf32>
          %swap3A_288 = arith.index_cast %add3A_234 : i32 to index
          %swap3A_289 = arith.constant 48 : index
          %swap3A_290 = tpu.vector_load %arg12[%swap3A_288, %swap3A_289] {strides = array<i32>} : memref<128x64xf32, #tpu.memory_space<vmem>>, vector<16xf32>,
          tpu.vector_store %arg12[%swap3A_288, %swap3A_289], %add3A_287 {strides = array<i32>} : memref<128x64xf32, #tpu.memory_space<vmem>>, vector<16xf32>,
          %mul3A_291 = arith.mulf %add3A_287, %add3A_287 : vector<16xf32>
          %add3A_292 = arith.addf %add3A_278, %mul3A_291 : vector<16xf32>
          %reduce_sum3A_293 = arith.constant true
          %reduce_sum3A_294 = vector.broadcast %reduce_sum3A_293 : i1 to vector<16xi1>
          %reduce_sum3A_295 = tpu.scan <sum>, %add3A_292 masked %reduce_sum3A_294 : vector<16xf32>, vector<16xi1> -> vector<16xf32>
          %reduce_sum3A_296 = vector.extract %reduce_sum3A_295[15] : f32 from vector<16xf32>
          %broadcast_in_dim3A_297 = vector.broadcast %reduce_sum3A_296 : f32 to vector<16xf32>
          %bitcast3A = vector.bitcast %broadcast_in_dim3A_297 : vector<16xf32> to vector<16xi32>
          %shift_right_logical3A = arith.constant 1 : i32
          %shift_right_logical3A_298 = vector.broadcast %shift_right_logical3A : i32 to vector<16xi32>
          %shift_right_logical3A_299 = arith.shrui %bitcast3A, %shift_right_logical3A_298 : vector<16xi32>
          %sub3A_300 = arith.constant 1597463007 : i32
          %sub3A_301 = vector.broadcast %sub3A_300 : i32 to vector<16xi32>
          %sub3A_302 = arith.subi %sub3A_301, %shift_right_logical3A_299 : vector<16xi32>
          %bitcast3A_303 = vector.bitcast %sub3A_302 : vector<16xi32> to vector<16xf32>
          %mul3A_304 = arith.constant 5.000000e-01 : f32
          %mul3A_305 = vector.broadcast %mul3A_304 : f32 to vector<16xf32>
          %mul3A_306 = arith.mulf %mul3A_305, %broadcast_in_dim3A_297 : vector<16xf32>
          %mul3A_307 = arith.mulf %mul3A_306, %bitcast3A_303 : vector<16xf32>
          %mul3A_308 = arith.mulf %mul3A_307, %bitcast3A_303 : vector<16xf32>
          %sub3A_309 = arith.constant 1.500000e+00 : f32
          %sub3A_310 = vector.broadcast %sub3A_309 : f32 to vector<16xf32>
          %sub3A_311 = arith.subf %sub3A_310, %mul3A_308 : vector<16xf32>
          %mul3A_312 = arith.mulf %bitcast3A_303, %sub3A_311 : vector<16xf32>
          %mul3A_313 = arith.constant 5.000000e-01 : f32
          %mul3A_314 = vector.broadcast %mul3A_313 : f32 to vector<16xf32>
          %mul3A_315 = arith.mulf %mul3A_314, %broadcast_in_dim3A_297 : vector<16xf32>
          %mul3A_316 = arith.mulf %mul3A_315, %mul3A_312 : vector<16xf32>
          %mul3A_317 = arith.mulf %mul3A_316, %mul3A_312 : vector<16xf32>
          %sub3A_318 = arith.constant 1.500000e+00 : f32
          %sub3A_319 = vector.broadcast %sub3A_318 : f32 to vector<16xf32>
          %sub3A_320 = arith.subf %sub3A_319, %mul3A_317 : vector<16xf32>
          %mul3A_321 = arith.mulf %mul3A_312, %sub3A_320 : vector<16xf32>
          %mul3A_322 = arith.constant 5.000000e-01 : f32
          %mul3A_323 = vector.broadcast %mul3A_322 : f32 to vector<16xf32>
          %mul3A_324 = arith.mulf %mul3A_323, %broadcast_in_dim3A_297 : vector<16xf32>
          %mul3A_325 = arith.mulf %mul3A_324, %mul3A_321 : vector<16xf32>
          %mul3A_326 = arith.mulf %mul3A_325, %mul3A_321 : vector<16xf32>
          %sub3A_327 = arith.constant 1.500000e+00 : f32
          %sub3A_328 = vector.broadcast %sub3A_327 : f32 to vector<16xf32>
          %sub3A_329 = arith.subf %sub3A_328, %mul3A_326 : vector<16xf32>
          %mul3A_330 = arith.mulf %mul3A_321, %sub3A_329 : vector<16xf32>
          %get3A_331 = arith.index_cast %add3A_234 : i32 to index
          %get3A_332 = arith.constant 0 : index
          %get3A_333 = tpu.vector_load %arg12[%get3A_331, %get3A_332] {strides = array<i32>} : memref<128x64xf32, #tpu.memory_space<vmem>>, vector<16xf32>,
          %mul3A_334 = arith.mulf %get3A_333, %mul3A_330 : vector<16xf32>
          %swap3A_335 = arith.index_cast %add3A_234 : i32 to index
          %swap3A_336 = arith.constant 0 : index
          %swap3A_337 = tpu.vector_load %arg12[%swap3A_335, %swap3A_336] {strides = array<i32>} : memref<128x64xf32, #tpu.memory_space<vmem>>, vector<16xf32>,
          tpu.vector_store %arg12[%swap3A_335, %swap3A_336], %mul3A_334 {strides = array<i32>} : memref<128x64xf32, #tpu.memory_space<vmem>>, vector<16xf32>,
          %get3A_338 = arith.index_cast %add3A_234 : i32 to index
          %get3A_339 = arith.constant 16 : index
          %get3A_340 = tpu.vector_load %arg12[%get3A_338, %get3A_339] {strides = array<i32>} : memref<128x64xf32, #tpu.memory_space<vmem>>, vector<16xf32>,
          %mul3A_341 = arith.mulf %get3A_340, %mul3A_330 : vector<16xf32>
          %swap3A_342 = arith.index_cast %add3A_234 : i32 to index
          %swap3A_343 = arith.constant 16 : index
          %swap3A_344 = tpu.vector_load %arg12[%swap3A_342, %swap3A_343] {strides = array<i32>} : memref<128x64xf32, #tpu.memory_space<vmem>>, vector<16xf32>,
          tpu.vector_store %arg12[%swap3A_342, %swap3A_343], %mul3A_341 {strides = array<i32>} : memref<128x64xf32, #tpu.memory_space<vmem>>, vector<16xf32>,
          %get3A_345 = arith.index_cast %add3A_234 : i32 to index
          %get3A_346 = arith.constant 32 : index
          %get3A_347 = tpu.vector_load %arg12[%get3A_345, %get3A_346] {strides = array<i32>} : memref<128x64xf32, #tpu.memory_space<vmem>>, vector<16xf32>,
          %mul3A_348 = arith.mulf %get3A_347, %mul3A_330 : vector<16xf32>
          %swap3A_349 = arith.index_cast %add3A_234 : i32 to index
          %swap3A_350 = arith.constant 32 : index
          %swap3A_351 = tpu.vector_load %arg12[%swap3A_349, %swap3A_350] {strides = array<i32>} : memref<128x64xf32, #tpu.memory_space<vmem>>, vector<16xf32>,
          tpu.vector_store %arg12[%swap3A_349, %swap3A_350], %mul3A_348 {strides = array<i32>} : memref<128x64xf32, #tpu.memory_space<vmem>>, vector<16xf32>,
          %get3A_352 = arith.index_cast %add3A_234 : i32 to index
          %get3A_353 = arith.constant 48 : index
          %get3A_354 = tpu.vector_load %arg12[%get3A_352, %get3A_353] {strides = array<i32>} : memref<128x64xf32, #tpu.memory_space<vmem>>, vector<16xf32>,
          %mul3A_355 = arith.mulf %get3A_354, %mul3A_330 : vector<16xf32>
          %swap3A_356 = arith.index_cast %add3A_234 : i32 to index
          %swap3A_357 = arith.constant 48 : index
          %swap3A_358 = tpu.vector_load %arg12[%swap3A_356, %swap3A_357] {strides = array<i32>} : memref<128x64xf32, #tpu.memory_space<vmem>>, vector<16xf32>,
          tpu.vector_store %arg12[%swap3A_356, %swap3A_357], %mul3A_355 {strides = array<i32>} : memref<128x64xf32, #tpu.memory_space<vmem>>, vector<16xf32>,
        }
        %scan3A_223 = arith.constant 128 : i32
        %dma_start3A_224 = arith.constant 0 : i32
        %dma_start3A_225 = arith.constant 0 : i32
        %dma_start3A_226 = tpu.memref_slice %arg8[%dma_start3A_224, %dma_start3A_225] : memref<1000000x64xf32, #tpu.memory_space<hbm>> -> memref<1000000x64xf32, #tpu.memory_space<hbm>>
        tpu.enqueue_indirect_dma source(%arg12 : memref<128x64xf32, #tpu.memory_space<vmem>>) target(%dma_start3A_226 : memref<1000000x64xf32, #tpu.memory_space<hbm>>) offsets(%arg10 : memref<128xi32, #tpu.memory_space<vmem>>) semaphore(%arg17 : memref<!tpu.dma_semaphore, #tpu.memory_space<semaphore_mem>>)
        %dma_wait3A_227 = arith.constant 0 : i32
        %dma_wait3A_228 = arith.constant 0 : i32
        %dma_wait3A_229 = tpu.memref_slice %arg8[%dma_wait3A_227, %dma_wait3A_228] : memref<1000000x64xf32, #tpu.memory_space<hbm>> -> memref<1000000x64xf32, #tpu.memory_space<hbm>>
        tpu.wait_indirect_dma semaphore(%arg17 : memref<!tpu.dma_semaphore, #tpu.memory_space<semaphore_mem>>) src(%arg12 : memref<128x64xf32, #tpu.memory_space<vmem>>) dst(%dma_wait3A_229 : memref<1000000x64xf32, #tpu.memory_space<hbm>>)
      } else {
      }
    }
    %scan3A_28 = arith.constant 129 : i32
    return
  }
}

</mosaic_0001>

<sc_bundles>
// kernel: gather_offload_async_start.1
scs
__scs_entry_jumppad:
0x0: {  	(pc) =	sbr.rel $0x88, $3  }
0x1: {  	(tag) =	ssettag $0x0;
	lr =	simm.s32 $0x1  }
0x2: {  	[smem:$0x3F9D] =	sst lr;
	_ =	strace $0xD0000000  }
0x3: {  	_ = 	snop  }
0x4: {  	_ = 	snop  }
0x5: {  	_ = 	snop  }
0x6: {  	_ = 	snop  }
0x7: {  	_ = 	snop  }
__scs_overlays_trampoline_lowered:
0x8: {  	[smem:$0x3FAC] =	sst s0  }
0x9: {  	[smem:$0x3FAD] =	sst s1  }
0xa: {  	[smem:$0x3FAE] =	sst s2  }
0xb: {  	[smem:$0x3FAF] =	sst s3  }
0xc: {  	[smem:$0x3FB0] =	sst s4  }
0xd: {  	[smem:$0x3FB1] =	sst s5  }
0xe: {  	[smem:$0x3FB2] =	sst s6  }
0xf: {  	[smem:$0x3FB3] =	sst s7  }
0x10: {  	[smem:$0x3FB4] =	sst s8  }
0x11: {  	[smem:$0x3FB5] =	sst s9;
	s0 =	simm.s32 @!p0 $0x0  }
0x12: {  	s1 =	sld [smem:$0x3F9B];
	s0 =	simm.s32 @p0 $0x1  }
0x13: {  	[smem:$0x3FB6] =	sst s0;
	s0 =	simm.s32 @!p1 $0x0  }
0x14: {  	s2 =	sld [smem:$0x3F9A];
	s0 =	simm.s32 @p1 $0x1  }
0x15: {  	[smem:$0x3FB7] =	sst s0;
	s0 =	simm.s32 @!p2 $0x0  }
0x16: {  	s3 =	sld [smem:$0x3FDB];
	s0 =	simm.s32 @p2 $0x1  }
0x17: {  	s4 =	simm.s32 $0x1BF5;
	[smem:$0x3FB9] =	sst s0  }
0x18: {  	s0 =	sld [smem:$0x3F9C];
	_ =	swait.ge [sflag:s4], $0x0  }
0x19: {  	s7 =	sld [smem:$0x3F9D]  }
0x1a: {  	s8 =	sadd.s32 $0xFFFFE003, lr  }
0x1b: {  	s9 =	sadd.s32 $0xFFFFFEF7, lr;
	s5 =	simm.s32 $0xFFFFFFFF;
	p2 =	slt.u32 s8, $0xFFFFF086  }
0x1c: {  	p1 =	slt.u32 s9, $0xF7A;
	s5 =	simm.s32 @!p2 $0x0  }
0x1d: {  	s5 =	simm.s32 @p1 $0x1;
	p0 =	seq.s32 s7, s2  }
0x1e: {  	s7 =	smul.u32 @!p0 $0xF7A, s2;
	p2 =	seq.s32 @!p0 s5, $0x0  }
0x1f: {  	s9 =	smul.u32 $0xF7A, s1;
	s8 =	simm.s32 @!p0 $0x1BF5;
	p2 =	por !p2, p0  }
0x20: {  	[sflag:s8] =	ssyncset.s32 @!p0 $0xFFFFF086;
	s6 =	sadd.s32 @!p0 s3, s7;
	s7 =	simm.s32 @!p0 $0x108  }
0x21: {  	s3 =	sadd.s32 s3, s9;
	s6 =	sadd.s32 @!p0 $0x88, s6;
	s7 =	simm.s32 @p2 $0x1082  }
0x22: {  	[simem:s7], [sflag:s8] =	dma.local @!p0 [hbm:s6], $0xF7A  }
0x23: {  	s9 =	sor.u32 $0xD0000000, s2;
	s6 =	simm.s32 $0x108;
	_ =	swait.ge @!p0 [sflag:s8], $0x0  }
0x24: {  	s3 =	sadd.s32 $0x88, s3;
	s6 =	simm.s32 @!p1 $0x1082;
	[sflag:s4] =	ssyncset.s32 $0xFFFFF086  }
0x25: {  	[simem:s6], [sflag:s4] =	dma.local [hbm:s3], $0xF7A  }
0x26: {  	[smem:$0x3F9D] =	sst s1;
	(tag) =	ssettag s2;
	_ =	strace s9  }
0x27: {  	s1 =	sld [smem:$0x3FAD]  }
0x28: {  	s2 =	sld [smem:$0x3FAE]  }
0x29: {  	s4 =	sld [smem:$0x3FB0]  }
0x2a: {  	p0 =	seq.s32 s5, $0x0;
	s5 =	sld [smem:$0x3FB1]  }
0x2b: {  	s6 =	sld [smem:$0x3FB2]  }
0x2c: {  	s7 =	sld [smem:$0x3FB3]  }
0x2d: {  	s3 =	simm.s32 $0x108;
	s8 =	sld [smem:$0x3FB4]  }
0x2e: {  	s3 =	simm.s32 @!p0 $0x1082;
	s9 =	sld [smem:$0x3FB5]  }
0x2f: {  	lr =	sadd.s32 s0, s3;
	s0 =	sld [smem:$0x3FAC]  }
0x30: {  	s3 =	sld [smem:$0x3FAF]  }
0x31: {  	[smem:$0x3FB8] =	sst s10  }
0x32: {  	s10 =	sld [smem:$0x3FB6];
	_ =	sdelay $0x3  }
0x33: {  	p0 =	seq.s32 s10, $0x1;
	s10 =	sld [smem:$0x3FB8];
	_ =	sdelay $0x3  }
0x34: {  	[smem:$0x3FB8] =	sst s10  }
0x35: {  	s10 =	sld [smem:$0x3FB7];
	_ =	sdelay $0x3  }
0x36: {  	p1 =	seq.s32 s10, $0x1;
	s10 =	sld [smem:$0x3FB8];
	_ =	sdelay $0x3  }
0x37: {  	[smem:$0x3FB8] =	sst s10  }
0x38: {  	s10 =	sld [smem:$0x3FB9]  }
0x39: {  	_ = 	snop;
	(pc) =	sbr.ind lr, $3  }
0x3a: {  	_ = 	snop  }
0x3b: {  	_ = 	snop  }
0x3c: {  	p2 =	seq.s32 s10, $0x1;
	s10 =	sld [smem:$0x3FB8]  }
0x3d: {  	_ =	shalt  }
0x3e: {  	_ =	shalt  }
0x3f: {  	_ =	shalt  }
0x40: {  	_ =	shalt  }
0x41: {  	_ =	shalt  }
0x42: {  	_ =	shalt  }
0x43: {  	_ =	shalt  }
0x44: {  	_ =	shalt  }
0x45: {  	_ =	shalt  }
0x46: {  	_ =	shalt  }
0x47: {  	_ =	shalt  }
0x48: {  	_ =	shalt  }
0x49: {  	_ =	shalt  }
0x4a: {  	_ =	shalt  }
0x4b: {  	_ =	shalt  }
0x4c: {  	_ =	shalt  }
0x4d: {  	_ =	shalt  }
0x4e: {  	_ =	shalt  }
0x4f: {  	_ =	shalt  }
0x50: {  	_ =	shalt  }
0x51: {  	_ =	shalt  }
0x52: {  	_ =	shalt  }
0x53: {  	_ =	shalt  }
0x54: {  	_ =	shalt  }
0x55: {  	_ =	shalt  }
0x56: {  	_ =	shalt  }
0x57: {  	_ =	shalt  }
0x58: {  	_ =	shalt  }
0x59: {  	_ =	shalt  }
0x5a: {  	_ =	shalt  }
0x5b: {  	_ =	shalt  }
0x5c: {  	_ =	shalt  }
0x5d: {  	_ =	shalt  }
0x5e: {  	_ =	shalt  }
0x5f: {  	_ =	shalt  }
0x60: {  	_ =	shalt  }
0x61: {  	_ =	shalt  }
0x62: {  	_ =	shalt  }
0x63: {  	_ =	shalt  }
0x64: {  	_ =	shalt  }
0x65: {  	_ =	shalt  }
0x66: {  	_ =	shalt  }
0x67: {  	_ =	shalt  }
0x68: {  	_ =	shalt  }
0x69: {  	_ =	shalt  }
0x6a: {  	_ =	shalt  }
0x6b: {  	_ =	shalt  }
0x6c: {  	_ =	shalt  }
0x6d: {  	_ =	shalt  }
0x6e: {  	_ =	shalt  }
0x6f: {  	_ =	shalt  }
0x70: {  	_ =	shalt  }
0x71: {  	_ =	shalt  }
0x72: {  	_ =	shalt  }
0x73: {  	_ =	shalt  }
0x74: {  	_ =	shalt  }
0x75: {  	_ =	shalt  }
0x76: {  	_ =	shalt  }
0x77: {  	_ =	shalt  }
0x78: {  	_ =	shalt  }
0x79: {  	_ =	shalt  }
0x7a: {  	_ =	shalt  }
0x7b: {  	_ =	shalt  }
0x7c: {  	_ =	shalt  }
0x7d: {  	_ =	shalt  }
0x7e: {  	_ =	shalt  }
0x7f: {  	_ =	shalt  }
0x80: {  	_ =	shalt  }
0x81: {  	_ =	shalt  }
0x82: {  	_ =	shalt  }
0x83: {  	_ =	shalt  }
0x84: {  	_ =	shalt  }
0x85: {  	_ =	shalt  }
0x86: {  	_ =	shalt  }
0x87: {  	_ =	shalt  }
.Lfunc_end0:
.L_simem_size_0:
called_computation.3_lowered:
.L_overlay_start_0:
0x88: {  	s2 =	sld [smem:$0x3FD9]  }
0x89: {  	s3 =	sld [smem:$0x3FFE];
	_ =	sdelay $0x1  }
0x8a: {  	s1 =	srdreg.scid  }
0x8b: {  	s0 =	sand.u32 $0x1, s1  }
0x8c: {  	s17 =	sshll.u32 s0, $0xA;
	s2 =	sadd.s32 s3, s2  }
0x8d: {  	s2 =	sadd.s32 s2, s17  }
0x8e: {  	[smem:$0x3FC4] =	sst s2  }
0x8f: {  	_ = 	snop  }
0x90: {  	s2 =	sld [smem:$0x3FC7];
	(tm) =	ssettm $0x1  }
0x91: {  	s18 =	sld [smem:$0x3FFB];
	_ =	sdelay $0x3  }
0x92: {  	_ =	strace s18  }
0x93: {  	s3 =	sld [smem:$0x3FFC];
	_ =	sdelay $0x3  }
0x94: {  	_ =	strace s3  }
0x95: {  	s3 =	sld [smem:$0x3FFD];
	_ =	sdelay $0x3  }
0x96: {  	_ =	strace s3  }
0x97: {  	_ =	strace $0x8FFFFFFF  }
0x98: {  	s19 =	sld [smem:$0x3FDB];
	_ =	sdelay $0x1  }
0x99: {  	s4 =	simm.s32 $_scs_section_size  }
0x9a: {  	s5 =	simm.s32 $_size__tile_overlayer_lowered;
	s6 =	simm.s32 $_tile_overlayer_lowered  }
0x9b: {  	s22 =	simm.s32 $0x1BFF;
	s21 =	sshll.u32 s6, $0x1;
	s3 =	sadd.s32 s4, s19  }
0x9c: {  	s7 =	simm.s32 $0x0;
	s20 =	sshll.u32 s5, $0x1;
	s5 =	sadd.s32 s21, s3  }
0x9d: {  	[timem:s7], [sflag:s22] =	dma.local [hbm:s5], s20  }
0x9e: {  	_ =	swait.ge [sflag:s22], s20  }
0x9f: {  	s4 =	ssub.s32 $0x0, s20;
	[sflag:s22] =	ssyncset.done $0x0  }
0xa0: {  	[sflag:s22] =	ssyncadd.s32 s4;
	_ =	sdelay $0x1  }
0xa1: {  	s23 =	simm.s32 $0x1B8B  }
0xa2: {  	_ =	swait.ge [sflag:s23], $0x1  }
0xa3: {  	[sflag:s23] =	ssyncset.done $0x0  }
0xa4: {  	s25 =	simm.s32 $0x1B8E;
	s24 =	sld [smem:$0x3FFE];
	[sflag:s23] =	ssyncadd.s32 $0xFFFFFFFF  }
0xa5: {  	s26 =	simm.s32 $execute0_lowered;
	[smem:$0x3FD2] =	sst s25  }
0xa6: {  	s5 =	sshll.u32 s26, $0x1;
	_ =	strace $0x8000004C;
	[dreg:$0x1] =	wrdreg $0xFFFFFFFF  }
0xa7: {  	s28 =	simm.s32 $_size_execute0_lowered;
	s3 =	sadd.s32 s3, s5;
	[dreg:$0x0] =	wrdreg $0x0  }
0xa8: {  	s5 =	sshll.u32 s28, $0x1;
	[dreg:$0x2] =	wrdreg s3  }
0xa9: {  	[dreg:$0x3] =	wrdreg s5  }
0xaa: {  	[dreg:$0x4] =	wrdreg $0xC0  }
0xab: {  	_ =	task [dreg:s7], $0x5FFFF  }
0xac: {  	[dreg:$0x1] =	wrdreg $0xFFFFFFFF  }
0xad: {  	[dreg:$0x0] =	wrdreg $0x60  }
0xae: {  	[dreg:$0x2] =	wrdreg s2  }
0xaf: {  	[dreg:$0x3] =	wrdreg s24  }
0xb0: {  	[dreg:$0x4] =	wrdreg $0x9  }
0xb1: {  	_ =	task.clear_ibuf [dreg:s7], $0x5FFFF;
	_ =	strace $0x9000004C  }
0xb2: {  	s29 =	simm.s32 $0x9;
	_ =	strace $0x8000004E  }
0xb3: {  	_ =	swait.ge [sflag:s29], $0x1  }
0xb4: {  	[sflag:s29] =	ssyncadd.s32 $0xFFFFFFFF  }
0xb5: {  	_ =	strace $0x9000004E  }
0xb6: {  	_ =	sfence  }
0xb7: {  	s30 =	sld [smem:$0x0];
	_ =	sdelay $0x2  }
0xb8: {  	s31 =	sshll.u32 s1, $0xD;
	s1 =	sshrl.u32 s1, $0x2  }
0xb9: {  	s3 =	sand.u32 $0x4000, s31;
	s1 =	sadd.s32 s1, s30  }
0xba: {  	s0 =	sor.u32 s3, s0;
	s1 =	sshll.u32 s1, $0x11  }
0xbb: {  	s0 =	sor.u32 s1, s0  }
0xbc: {  	s0 =	sadd.s32 $0x8F2B, s0  }
0xbd: {  	[sflag:s0] =	ssyncadd.remote.s32 $0x1  }
0xbe: {  	_ =	sfence.sel $0xFFFF  }
0xbf: {  	[dreg:$0x0] =	wrdreg $0xFFFFFFFF;
	(pc) =	sbr.abs _section_cstart, $3  }
0xc0: {  	[dreg:$0x1] =	wrdreg $0xFFFFFFFF  }
0xc1: {  	_ =	task.clear_ibuf [dreg:s7], $0x2FFFF;
	_ =	strace $0x9FFFFFFF  }
0xc2: {  	(tm) =	ssettm $0x7FFFFFFF  }
0xc3: {  	_ =	shalt  }
tec
execute0_lowered:
.L_overlay_start_1:
0x0: {  	(tag) =	ssettag $0x1  }
0x1: {  	s1 =	srdreg.scid;
	s2 =	rddreg [dreg:$0x0]  }
0x2: {  	s0 =	stileid.u32;
	s3 =	rddreg [dreg:$0x1]  }
0x3: {  	s6 =	simm.s32 $0x1;
	s9 =	simm.s32 $0x1;
	s1 =	sshll.u32 s1, $0x8  }
0x4: {  	s10 =	simm.s32 $0x3;
	s4 =	sshll.u32 s0, $0x9;
	s5 =	sand.u32 $0x100, s1  }
0x5: {  	s13 =	simm.s32 $0x0;
	s12 =	simm.s32 $0x0;
	s4 =	sor.u32 s4, s5  }
0x6: {  	s1 =	rddreg [dreg:$0x2];
	_ =	strace $0x8000004D;
	s8 =	ssub.s32 $0x4000, s4  }
.Ltmp0:
0x7: {  	s5 =	sadd.s32 $0xA00, s3;
	s7 =	sand.u32 $0x1F00, s8;
	(pc) =	sbr.rel .LBB2_1-.Ltmp0, $4  }
0x8: {  	[sflag:s6] =	ssyncpa.u1 $0x0;
	s11 =	smov.u32 s4;
	p0 =	sne.s32 s7, $0x0  }
0x9: {  	s8 =	sshrl.u32 s8, $0xD;
	s7 =	simm.s32 $0x2;
	s9 =	simm.s32 @!p0 $0x0  }
0xa: {  	[sflag:s7] =	ssyncpa.u1 $0x0;
	p0 =	por $0x0, $0x0;
	s8 =	sadd.s32 s9, s8  }
0xb: {  	vm0 =	vmmov $0xffff;
	[sflag:s10] =	ssyncpa.u1 $0x0;
	s10 =	simm.s32 $0x0;
	s9 =	sadd.s32 $0x1, s8  }
.LBB2_4:
0xc: {  	v2 =	vnsel vm1, $0x0, v2  }
0xd: {  	vm1 =	vgt.s32 v0, $0x0;
	v2 =	vmin.u32 v2, $0x3FFF  }
0xe: {  	v0 =	vnsel vm1, $0x0, v0  }
0xf: {  	v0 =	vmin.u32 v0, $0x3FFF  }
0x10: {  	[tilespmem:s15], [sflag:$0x1] =	stream.indirect_vreg.gather [hbm4b:s2+s10], $0x1, v1, vm0, $0x4038;
	[tilespmem:$0x400] =	vst v63  }
0x11: {  	(ifvalue) =	ssetifvalue $0x7FFFFFFF  }
0x12: {  	[tilespmem:s16], [sflag:$0x1] =	stream.indirect_vreg.gather [hbm4b:s2+s10], $0x1, v2, vm0, $0x4038;
	[tilespmem:$0x400] =	vst v63  }
0x13: {  	s29 =	sadd.s32 $0x10, s16;
	(ifvalue) =	ssetifvalue $0x7FFFFFFF  }
0x14: {  	[tilespmem:s29], [sflag:$0x1] =	stream.indirect_vreg.gather [hbm4b:s2+s10], $0x1, v0, vm0, $0x4038;
	[tilespmem:$0x400] =	vst v63  }
0x15: {  	_ =	swait.ge [sflag:s6], $0x100  }
0x16: {  	s30 =	sshrl.u32 s13, $0x3;
	[sflag:s6] =	ssyncset.done $0x0  }
0x17: {  	s31 =	sand.u32 $0x7, s13;
	s15 =	sadd.s32 s5, s30;
	[sflag:s6] =	ssyncadd.s32 $0xFFFFFF00  }
0x18: {  	[hbm4b:s15+s31] =	stream.linear.scatter [tilespmem:s14], [sflag:$0x3], $0x100, $0x38;
	[tilespmem:$0x400] =	vst v63  }
.LBB2_5:
0x19: {  	s15 =	sadd.s32 $0x2000, s11  }
0x1a: {  	p2 =	sgt.s32 s15, $0x3FFF  }
0x1b: {  	s15 =	smov.u32 @p2 s4;
	p2 =	sne.s32 s12, s9  }
.Ltmp1:
0x1c: {  	p1 =	slt.u32 s12, $0x2;
	(pc) =	sbr.rel @!p2 .LBB2_6-.Ltmp1, $4  }
0x1d: {  	s14 =	simm.s32 @!p1 $0x3  }
0x1e: {  	s16 =	sadd.s32 $0x1, s12;
	_ =	swait.ge @!p1 [sflag:s14], $0x100  }
0x1f: {  	s13 =	smov.u32 s11;
	p0 =	por !p0, !p0;
	[sflag:s14] =	ssyncset.done @!p1 $0x0  }
0x20: {  	s12 =	smov.u32 s16;
	s11 =	smov.u32 s15;
	[sflag:s14] =	ssyncadd.s32 @!p1 $0xFFFFFF00  }
.LBB2_1:
0x21: {  	p1 =	sge.u32 s12, s8  }
0x22: {  	s14 =	sxor.u32 @!p1 $0xFFFFFFFF, s12  }
0x23: {  	s31 =	sadd.s32 $0xFFFFFFFF, s12;
	s15 =	sshrl.u32 @!p1 s11, $0x3;
	s14 =	sshll.u32 @!p1 s14, $0x8  }
0x24: {  	s16 =	sand.u32 @!p1 $0x7, s11;
	s15 =	sadd.s32 @!p1 s3, s15;
	s14 =	sand.u32 @!p1 $0x100, s14  }
0x25: {  	[tilespmem:s14], [sflag:$0x2] =	stream.linear.gather @!p1 [hbm4b:s15+s16], $0x100, $0x38;
	[tilespmem:$0x400] =	vst v63  }
0x26: {  	p1 =	sge.u32 s31, s8  }
.Ltmp2:
0x27: {  	_ = 	snop;
	(pc) =	sbr.rel @p1 .LBB2_5-.Ltmp2, $1  }
0x28: {  	_ =	sdelay $0x3  }
0x29: {  	s14 =	simm.s32 $0x1  }
0x2a: {  	_ =	swait.ge [sflag:s7], $0x100;
	s14 =	simm.s32 @!p0 $0x0  }
0x2b: {  	[sflag:s7] =	ssyncset.done $0x0;
	s14 =	sshll.u32 s14, $0x8  }
0x2c: {  	[sflag:s7] =	ssyncadd.s32 $0xFFFFFF00;
	(ifvalue) =	ssetifvalue $0x7FFFFFFF;
	v0 =	vld.msk [tilespmem:s14+$0x0 ss:$0x1], $0xffff;
	_ =	sdelay $0x4  }
0x2d: {  	s15 =	sadd.s32 $0x10, s14;
	vm1 =	vgt.s32 v0, $0x0  }
0x2e: {  	v2 =	vld.msk [tilespmem:s15+$0x0 ss:$0x1], $0xffff;
	v1 =	vnsel vm1, $0x0, v0  }
0x2f: {  	v1 =	vmin.u32 v1, $0x3FFF;
	_ =	sdelay $0x1  }
0x30: {  	s16 =	sshll.u32 s12, $0x8;
	s18 =	simm.s32 $0x20  }
0x31: {  	s16 =	sand.u32 $0x100, s16;
	s17 =	sadd.s32 $0x10, s15;
	s15 =	sor.u32 $0x200, s14  }
0x32: {  	s14 =	sor.u32 $0x200, s16;
	s16 =	sadd.s32 $0x10, s15;
	v0 =	vld.msk [tilespmem:s17+$0x0 ss:$0x1], $0xffff;
	vm1 =	vgt.s32 v2, $0x0;
	(ifvalue) =	ssetifvalue $0x7FFFFFFF  }
.LBB2_3:
0x33: {  	[tilespmem:s15], [sflag:$0x1] =	stream.indirect_vreg.gather [hbm4b:s2+s10], $0x1, v1, vm0, $0x4038;
	[tilespmem:$0x400] =	vst v63  }
0x34: {  	s18 =	sadd.s32 $0x10, s18  }
0x35: {  	v2 =	vnsel vm1, $0x0, v2;
	p1 =	slt.u32 s18, $0xF0  }
.Ltmp3:
0x36: {  	s15 =	smov.u32 s16;
	v1 =	vmin.u32 v2, $0x3FFF;
	(pc) =	sbr.rel @p1 .LBB2_3-.Ltmp3, $3  }
0x37: {  	_ =	sdelay $0x1  }
0x38: {  	s17 =	sadd.s32 $0x10, s17  }
0x39: {  	vm1 =	vgt.s32 v0, $0x0;
	s16 =	sadd.s32 $0x10, s16;
	v2 =	vmov v0;
	(ifvalue) =	ssetifvalue $0x7FFFFFFF;
	v0 =	vld.msk [tilespmem:s17+$0x0 ss:$0x1], $0xffff  }
.Ltmp4:
0x3a: {  	_ = 	snop;
	(pc) =	sbr.rel .LBB2_4-.Ltmp4, $1  }
0x3b: {  	_ =	sdelay $0x3  }
.LBB2_6:
0x3c: {  	_ =	sfence.sel $0x180000  }
0x3d: {  	s2 =	simm.s32 $0x2;
	[bflag:$0x0] =	sbarrier.arrive $0xFFFF  }
0x3e: {  	s30 =	simm.s32 $0x3;
	[sflag:s2] =	ssyncpa.u1 $0x1  }
0x3f: {  	s31 =	simm.s32 $0x1;
	[sflag:s30] =	ssyncpa.u1 $0x1  }
0x40: {  	[sflag:s31] =	ssyncpa.u1 $0x1  }
0x41: {  	p0 =	sne.s32 s0, $0x0;
	_ =	strace $0x9000004D  }
0x42: {  	s0 =	sadd.s32 @!p0 $0x100000, s1;
	[bflag:$0x2] =	sbarrier.arrive $0xFFFF  }
0x43: {  	[sflag:s0] =	ssyncadd.tile.s32 @!p0 $0x1;
	_ =	shalt  }
.Lfunc_end2:
_tile_overlayer_lowered:
.L_overlay_start_2:
0x44: {  	(tag) =	ssettag $0x2  }
0x45: {  	s0 =	rddreg [dreg:$0x0];
	s2 =	stileid.u32  }
0x46: {  	s1 =	rddreg [dreg:$0x1];
	p0 =	sne.s32 s2, $0x0  }
0x47: {  	s3 =	rddreg [dreg:$0x2];
	[bflag:$0x3] =	sbarrier.arrive $0xFFFF;
	s2 =	simm.s32 @!p0 $0x1C01  }
0x48: {  	[timem:s3], [sflag:s2] =	dma.local @!p0 [hbm:s0], s1  }
0x49: {  	s0 =	simm.s32 @!p0 $0x1  }
0x4a: {  	_ =	swait.ge @!p0 [sflag:s0], s1  }
0x4b: {  	s1 =	ssub.s32 @!p0 $0x0, s1;
	[sflag:s0] =	ssyncset.done @!p0 $0x0  }
0x4c: {  	[sflag:s0] =	ssyncadd.s32 @!p0 s1  }
0x4d: {  	[bflag:$0x3] =	sbarrier.arrive $0xFFFF  }
0x4e: {  	_ =	shalt  }

// kernel: gather_offload_async_start
scs
__scs_entry_jumppad:
0x0: {  	(pc) =	sbr.rel $0x88, $3  }
0x1: {  	(tag) =	ssettag $0x0;
	lr =	simm.s32 $0x1  }
0x2: {  	[smem:$0x3F9D] =	sst lr;
	_ =	strace $0xD0000000  }
0x3: {  	_ = 	snop  }
0x4: {  	_ = 	snop  }
0x5: {  	_ = 	snop  }
0x6: {  	_ = 	snop  }
0x7: {  	_ = 	snop  }
__scs_overlays_trampoline_lowered:
0x8: {  	[smem:$0x3FAC] =	sst s0  }
0x9: {  	[smem:$0x3FAD] =	sst s1  }
0xa: {  	[smem:$0x3FAE] =	sst s2  }
0xb: {  	[smem:$0x3FAF] =	sst s3  }
0xc: {  	[smem:$0x3FB0] =	sst s4  }
0xd: {  	[smem:$0x3FB1] =	sst s5  }
0xe: {  	[smem:$0x3FB2] =	sst s6  }
0xf: {  	[smem:$0x3FB3] =	sst s7  }
0x10: {  	[smem:$0x3FB4] =	sst s8  }
0x11: {  	[smem:$0x3FB5] =	sst s9;
	s0 =	simm.s32 @!p0 $0x0  }
0x12: {  	s1 =	sld [smem:$0x3F9B];
	s0 =	simm.s32 @p0 $0x1  }
0x13: {  	[smem:$0x3FB6] =	sst s0;
	s0 =	simm.s32 @!p1 $0x0  }
0x14: {  	s2 =	sld [smem:$0x3F9A];
	s0 =	simm.s32 @p1 $0x1  }
0x15: {  	[smem:$0x3FB7] =	sst s0;
	s0 =	simm.s32 @!p2 $0x0  }
0x16: {  	s3 =	sld [smem:$0x3FDB];
	s0 =	simm.s32 @p2 $0x1  }
0x17: {  	s4 =	simm.s32 $0x1BF5;
	[smem:$0x3FB9] =	sst s0  }
0x18: {  	s0 =	sld [smem:$0x3F9C];
	_ =	swait.ge [sflag:s4], $0x0  }
0x19: {  	s7 =	sld [smem:$0x3F9D]  }
0x1a: {  	s8 =	sadd.s32 $0xFFFFE003, lr  }
0x1b: {  	s9 =	sadd.s32 $0xFFFFFEF7, lr;
	s5 =	simm.s32 $0xFFFFFFFF;
	p2 =	slt.u32 s8, $0xFFFFF086  }
0x1c: {  	p1 =	slt.u32 s9, $0xF7A;
	s5 =	simm.s32 @!p2 $0x0  }
0x1d: {  	s5 =	simm.s32 @p1 $0x1;
	p0 =	seq.s32 s7, s2  }
0x1e: {  	s7 =	smul.u32 @!p0 $0xF7A, s2;
	p2 =	seq.s32 @!p0 s5, $0x0  }
0x1f: {  	s9 =	smul.u32 $0xF7A, s1;
	s8 =	simm.s32 @!p0 $0x1BF5;
	p2 =	por !p2, p0  }
0x20: {  	[sflag:s8] =	ssyncset.s32 @!p0 $0xFFFFF086;
	s6 =	sadd.s32 @!p0 s3, s7;
	s7 =	simm.s32 @!p0 $0x108  }
0x21: {  	s3 =	sadd.s32 s3, s9;
	s6 =	sadd.s32 @!p0 $0x88, s6;
	s7 =	simm.s32 @p2 $0x1082  }
0x22: {  	[simem:s7], [sflag:s8] =	dma.local @!p0 [hbm:s6], $0xF7A  }
0x23: {  	s9 =	sor.u32 $0xD0000000, s2;
	s6 =	simm.s32 $0x108;
	_ =	swait.ge @!p0 [sflag:s8], $0x0  }
0x24: {  	s3 =	sadd.s32 $0x88, s3;
	s6 =	simm.s32 @!p1 $0x1082;
	[sflag:s4] =	ssyncset.s32 $0xFFFFF086  }
0x25: {  	[simem:s6], [sflag:s4] =	dma.local [hbm:s3], $0xF7A  }
0x26: {  	[smem:$0x3F9D] =	sst s1;
	(tag) =	ssettag s2;
	_ =	strace s9  }
0x27: {  	s1 =	sld [smem:$0x3FAD]  }
0x28: {  	s2 =	sld [smem:$0x3FAE]  }
0x29: {  	s4 =	sld [smem:$0x3FB0]  }
0x2a: {  	p0 =	seq.s32 s5, $0x0;
	s5 =	sld [smem:$0x3FB1]  }
0x2b: {  	s6 =	sld [smem:$0x3FB2]  }
0x2c: {  	s7 =	sld [smem:$0x3FB3]  }
0x2d: {  	s3 =	simm.s32 $0x108;
	s8 =	sld [smem:$0x3FB4]  }
0x2e: {  	s3 =	simm.s32 @!p0 $0x1082;
	s9 =	sld [smem:$0x3FB5]  }
0x2f: {  	lr =	sadd.s32 s0, s3;
	s0 =	sld [smem:$0x3FAC]  }
0x30: {  	s3 =	sld [smem:$0x3FAF]  }
0x31: {  	[smem:$0x3FB8] =	sst s10  }
0x32: {  	s10 =	sld [smem:$0x3FB6];
	_ =	sdelay $0x3  }
0x33: {  	p0 =	seq.s32 s10, $0x1;
	s10 =	sld [smem:$0x3FB8];
	_ =	sdelay $0x3  }
0x34: {  	[smem:$0x3FB8] =	sst s10  }
0x35: {  	s10 =	sld [smem:$0x3FB7];
	_ =	sdelay $0x3  }
0x36: {  	p1 =	seq.s32 s10, $0x1;
	s10 =	sld [smem:$0x3FB8];
	_ =	sdelay $0x3  }
0x37: {  	[smem:$0x3FB8] =	sst s10  }
0x38: {  	s10 =	sld [smem:$0x3FB9]  }
0x39: {  	_ = 	snop;
	(pc) =	sbr.ind lr, $3  }
0x3a: {  	_ = 	snop  }
0x3b: {  	_ = 	snop  }
0x3c: {  	p2 =	seq.s32 s10, $0x1;
	s10 =	sld [smem:$0x3FB8]  }
0x3d: {  	_ =	shalt  }
0x3e: {  	_ =	shalt  }
0x3f: {  	_ =	shalt  }
0x40: {  	_ =	shalt  }
0x41: {  	_ =	shalt  }
0x42: {  	_ =	shalt  }
0x43: {  	_ =	shalt  }
0x44: {  	_ =	shalt  }
0x45: {  	_ =	shalt  }
0x46: {  	_ =	shalt  }
0x47: {  	_ =	shalt  }
0x48: {  	_ =	shalt  }
0x49: {  	_ =	shalt  }
0x4a: {  	_ =	shalt  }
0x4b: {  	_ =	shalt  }
0x4c: {  	_ =	shalt  }
0x4d: {  	_ =	shalt  }
0x4e: {  	_ =	shalt  }
0x4f: {  	_ =	shalt  }
0x50: {  	_ =	shalt  }
0x51: {  	_ =	shalt  }
0x52: {  	_ =	shalt  }
0x53: {  	_ =	shalt  }
0x54: {  	_ =	shalt  }
0x55: {  	_ =	shalt  }
0x56: {  	_ =	shalt  }
0x57: {  	_ =	shalt  }
0x58: {  	_ =	shalt  }
0x59: {  	_ =	shalt  }
0x5a: {  	_ =	shalt  }
0x5b: {  	_ =	shalt  }
0x5c: {  	_ =	shalt  }
0x5d: {  	_ =	shalt  }
0x5e: {  	_ =	shalt  }
0x5f: {  	_ =	shalt  }
0x60: {  	_ =	shalt  }
0x61: {  	_ =	shalt  }
0x62: {  	_ =	shalt  }
0x63: {  	_ =	shalt  }
0x64: {  	_ =	shalt  }
0x65: {  	_ =	shalt  }
0x66: {  	_ =	shalt  }
0x67: {  	_ =	shalt  }
0x68: {  	_ =	shalt  }
0x69: {  	_ =	shalt  }
0x6a: {  	_ =	shalt  }
0x6b: {  	_ =	shalt  }
0x6c: {  	_ =	shalt  }
0x6d: {  	_ =	shalt  }
0x6e: {  	_ =	shalt  }
0x6f: {  	_ =	shalt  }
0x70: {  	_ =	shalt  }
0x71: {  	_ =	shalt  }
0x72: {  	_ =	shalt  }
0x73: {  	_ =	shalt  }
0x74: {  	_ =	shalt  }
0x75: {  	_ =	shalt  }
0x76: {  	_ =	shalt  }
0x77: {  	_ =	shalt  }
0x78: {  	_ =	shalt  }
0x79: {  	_ =	shalt  }
0x7a: {  	_ =	shalt  }
0x7b: {  	_ =	shalt  }
0x7c: {  	_ =	shalt  }
0x7d: {  	_ =	shalt  }
0x7e: {  	_ =	shalt  }
0x7f: {  	_ =	shalt  }
0x80: {  	_ =	shalt  }
0x81: {  	_ =	shalt  }
0x82: {  	_ =	shalt  }
0x83: {  	_ =	shalt  }
0x84: {  	_ =	shalt  }
0x85: {  	_ =	shalt  }
0x86: {  	_ =	shalt  }
0x87: {  	_ =	shalt  }
.Lfunc_end0:
.L_simem_size_0:
called_computation.2_lowered:
.L_overlay_start_0:
0x88: {  	s2 =	sld [smem:$0x3FD9]  }
0x89: {  	s3 =	sld [smem:$0x3FFE];
	_ =	sdelay $0x1  }
0x8a: {  	s1 =	srdreg.scid  }
0x8b: {  	s0 =	sand.u32 $0x1, s1  }
0x8c: {  	s16 =	sshll.u32 s0, $0xA;
	s2 =	sadd.s32 s3, s2  }
0x8d: {  	s2 =	sadd.s32 s2, s16  }
0x8e: {  	[smem:$0x3FC4] =	sst s2  }
0x8f: {  	_ = 	snop  }
0x90: {  	(tm) =	ssettm $0x1  }
0x91: {  	s17 =	sld [smem:$0x3FFB];
	_ =	sdelay $0x3  }
0x92: {  	_ =	strace s17  }
0x93: {  	s2 =	sld [smem:$0x3FFC];
	_ =	sdelay $0x3  }
0x94: {  	_ =	strace s2  }
0x95: {  	s2 =	sld [smem:$0x3FFD];
	_ =	sdelay $0x3  }
0x96: {  	_ =	strace s2  }
0x97: {  	_ =	strace $0x8FFFFFFF  }
0x98: {  	s18 =	sld [smem:$0x3FDB];
	_ =	sdelay $0x1  }
0x99: {  	s19 =	simm.s32 $_scs_section_size  }
0x9a: {  	s4 =	simm.s32 $_size__tile_overlayer_lowered;
	s5 =	simm.s32 $_tile_overlayer_lowered  }
0x9b: {  	s22 =	simm.s32 $0x1BFF;
	s21 =	sshll.u32 s5, $0x1;
	s2 =	sadd.s32 s19, s18  }
0x9c: {  	s6 =	simm.s32 $0x0;
	s20 =	sshll.u32 s4, $0x1;
	s4 =	sadd.s32 s21, s2  }
0x9d: {  	[timem:s6], [sflag:s22] =	dma.local [hbm:s4], s20  }
0x9e: {  	_ =	swait.ge [sflag:s22], s20  }
0x9f: {  	s3 =	ssub.s32 $0x0, s20;
	[sflag:s22] =	ssyncset.done $0x0  }
0xa0: {  	[sflag:s22] =	ssyncadd.s32 s3;
	_ =	sdelay $0x1  }
0xa1: {  	s23 =	simm.s32 $0x1B8B  }
0xa2: {  	_ =	swait.ge [sflag:s23], $0x1  }
0xa3: {  	[sflag:s23] =	ssyncset.done $0x0  }
0xa4: {  	s25 =	simm.s32 $0x1B8E;
	s24 =	sld [smem:$0x3FFE];
	[sflag:s23] =	ssyncadd.s32 $0xFFFFFFFF  }
0xa5: {  	s26 =	simm.s32 $execute0_lowered;
	[smem:$0x3FD2] =	sst s25  }
0xa6: {  	s4 =	sshll.u32 s26, $0x1;
	_ =	strace $0x80000046;
	[dreg:$0x1] =	wrdreg $0xFFFFFFFF  }
0xa7: {  	s28 =	simm.s32 $_size_execute0_lowered;
	s2 =	sadd.s32 s2, s4;
	[dreg:$0x0] =	wrdreg $0x0  }
0xa8: {  	s4 =	sshll.u32 s28, $0x1;
	[dreg:$0x2] =	wrdreg s2  }
0xa9: {  	[dreg:$0x3] =	wrdreg s4  }
0xaa: {  	[dreg:$0x4] =	wrdreg $0xC0  }
0xab: {  	_ =	task [dreg:s6], $0x5FFFF  }
0xac: {  	[dreg:$0x1] =	wrdreg $0xFFFFFFFF  }
0xad: {  	[dreg:$0x0] =	wrdreg $0x60  }
0xae: {  	[dreg:$0x2] =	wrdreg s24  }
0xaf: {  	[dreg:$0x3] =	wrdreg $0x9  }
0xb0: {  	_ =	task.clear_ibuf [dreg:s6], $0x4FFFF;
	_ =	strace $0x90000046  }
0xb1: {  	s29 =	simm.s32 $0x9;
	_ =	strace $0x80000048  }
0xb2: {  	_ =	swait.ge [sflag:s29], $0x1  }
0xb3: {  	[sflag:s29] =	ssyncadd.s32 $0xFFFFFFFF  }
0xb4: {  	_ =	strace $0x90000048  }
0xb5: {  	_ =	sfence  }
0xb6: {  	s30 =	sld [smem:$0x0];
	_ =	sdelay $0x2  }
0xb7: {  	s31 =	sshll.u32 s1, $0xD;
	s1 =	sshrl.u32 s1, $0x2  }
0xb8: {  	s3 =	sand.u32 $0x4000, s31;
	s1 =	sadd.s32 s1, s30  }
0xb9: {  	s0 =	sor.u32 s3, s0;
	s1 =	sshll.u32 s1, $0x11  }
0xba: {  	s0 =	sor.u32 s1, s0  }
0xbb: {  	s0 =	sadd.s32 $0x8F2B, s0  }
0xbc: {  	[sflag:s0] =	ssyncadd.remote.s32 $0x1  }
0xbd: {  	_ =	sfence.sel $0xFFFF  }
0xbe: {  	[dreg:$0x0] =	wrdreg $0xFFFFFFFF;
	(pc) =	sbr.abs _section_cstart, $3  }
0xbf: {  	[dreg:$0x1] =	wrdreg $0xFFFFFFFF  }
0xc0: {  	_ =	task.clear_ibuf [dreg:s6], $0x2FFFF;
	_ =	strace $0x9FFFFFFF  }
0xc1: {  	(tm) =	ssettm $0x7FFFFFFF  }
tec
execute0_lowered:
.L_overlay_start_1:
0x0: {  	(tag) =	ssettag $0x1  }
0x1: {  	s1 =	srdreg.scid  }
0x2: {  	s0 =	stileid.u32;
	s2 =	rddreg [dreg:$0x0];
	s6 =	simm.s32 $0x1  }
0x3: {  	s9 =	simm.s32 $0x1;
	s10 =	simm.s32 $0x3;
	s1 =	sshll.u32 s1, $0x8  }
0x4: {  	s13 =	simm.s32 $0x0;
	s3 =	sshll.u32 s0, $0x9;
	s4 =	sand.u32 $0x100, s1  }
0x5: {  	s12 =	simm.s32 $0x0;
	s5 =	sadd.s32 $0x800, s2;
	s3 =	sor.u32 s3, s4  }
0x6: {  	s1 =	rddreg [dreg:$0x1];
	_ =	strace $0x80000047;
	s8 =	ssub.s32 $0x4000, s3  }
.Ltmp0:
0x7: {  	s4 =	sadd.s32 $0x21800, s2;
	s7 =	sand.u32 $0x1F00, s8;
	(pc) =	sbr.rel .LBB2_1-.Ltmp0, $4  }
0x8: {  	[sflag:s6] =	ssyncpa.u1 $0x0;
	s11 =	smov.u32 s3;
	p0 =	sne.s32 s7, $0x0  }
0x9: {  	s8 =	sshrl.u32 s8, $0xD;
	s7 =	simm.s32 $0x2;
	s9 =	simm.s32 @!p0 $0x0  }
0xa: {  	[sflag:s7] =	ssyncpa.u1 $0x0;
	p0 =	por $0x0, $0x0;
	s8 =	sadd.s32 s9, s8  }
0xb: {  	vm0 =	vmmov $0xffff;
	[sflag:s10] =	ssyncpa.u1 $0x0;
	s10 =	simm.s32 $0x0;
	s9 =	sadd.s32 $0x1, s8  }
.LBB2_4:
0xc: {  	v2 =	vnsel vm1, $0x0, v2  }
0xd: {  	vm1 =	vgt.s32 v0, $0x0;
	v2 =	vmin.u32 v2, $0xF423F  }
0xe: {  	v0 =	vnsel vm1, $0x0, v0  }
0xf: {  	v0 =	vmin.u32 v0, $0xF423F  }
0x10: {  	[tilespmem:s15], [sflag:$0x1] =	stream.indirect_vreg.gather [hbm4b:s4+s10], $0x1, v1, vm0, $0x4038;
	[tilespmem:$0x400] =	vst v63  }
0x11: {  	(ifvalue) =	ssetifvalue $0x7FFFFFFF  }
0x12: {  	[tilespmem:s16], [sflag:$0x1] =	stream.indirect_vreg.gather [hbm4b:s4+s10], $0x1, v2, vm0, $0x4038;
	[tilespmem:$0x400] =	vst v63  }
0x13: {  	s29 =	sadd.s32 $0x10, s16;
	(ifvalue) =	ssetifvalue $0x7FFFFFFF  }
0x14: {  	[tilespmem:s29], [sflag:$0x1] =	stream.indirect_vreg.gather [hbm4b:s4+s10], $0x1, v0, vm0, $0x4038;
	[tilespmem:$0x400] =	vst v63  }
0x15: {  	_ =	swait.ge [sflag:s6], $0x100  }
0x16: {  	s30 =	sshrl.u32 s13, $0x3;
	[sflag:s6] =	ssyncset.done $0x0  }
0x17: {  	s31 =	sand.u32 $0x7, s13;
	s15 =	sadd.s32 s2, s30;
	[sflag:s6] =	ssyncadd.s32 $0xFFFFFF00  }
0x18: {  	[hbm4b:s15+s31] =	stream.linear.scatter [tilespmem:s14], [sflag:$0x3], $0x100, $0x38;
	[tilespmem:$0x400] =	vst v63  }
.LBB2_5:
0x19: {  	s15 =	sadd.s32 $0x2000, s11  }
0x1a: {  	p2 =	sgt.s32 s15, $0x3FFF  }
0x1b: {  	s15 =	smov.u32 @p2 s3;
	p2 =	sne.s32 s12, s9  }
.Ltmp1:
0x1c: {  	p1 =	slt.u32 s12, $0x2;
	(pc) =	sbr.rel @!p2 .LBB2_6-.Ltmp1, $4  }
0x1d: {  	s14 =	simm.s32 @!p1 $0x3  }
0x1e: {  	s16 =	sadd.s32 $0x1, s12;
	_ =	swait.ge @!p1 [sflag:s14], $0x100  }
0x1f: {  	s13 =	smov.u32 s11;
	p0 =	por !p0, !p0;
	[sflag:s14] =	ssyncset.done @!p1 $0x0  }
0x20: {  	s12 =	smov.u32 s16;
	s11 =	smov.u32 s15;
	[sflag:s14] =	ssyncadd.s32 @!p1 $0xFFFFFF00  }
.LBB2_1:
0x21: {  	p1 =	sge.u32 s12, s8  }
0x22: {  	s14 =	sxor.u32 @!p1 $0xFFFFFFFF, s12  }
0x23: {  	s31 =	sadd.s32 $0xFFFFFFFF, s12;
	s15 =	sshrl.u32 @!p1 s11, $0x3;
	s14 =	sshll.u32 @!p1 s14, $0x8  }
0x24: {  	s16 =	sand.u32 @!p1 $0x7, s11;
	s15 =	sadd.s32 @!p1 s5, s15;
	s14 =	sand.u32 @!p1 $0x100, s14  }
0x25: {  	[tilespmem:s14], [sflag:$0x2] =	stream.linear.gather @!p1 [hbm4b:s15+s16], $0x100, $0x38;
	[tilespmem:$0x400] =	vst v63  }
0x26: {  	p1 =	sge.u32 s31, s8  }
.Ltmp2:
0x27: {  	_ = 	snop;
	(pc) =	sbr.rel @p1 .LBB2_5-.Ltmp2, $1  }
0x28: {  	_ =	sdelay $0x3  }
0x29: {  	s14 =	simm.s32 $0x1  }
0x2a: {  	_ =	swait.ge [sflag:s7], $0x100;
	s14 =	simm.s32 @!p0 $0x0  }
0x2b: {  	[sflag:s7] =	ssyncset.done $0x0;
	s14 =	sshll.u32 s14, $0x8  }
0x2c: {  	[sflag:s7] =	ssyncadd.s32 $0xFFFFFF00;
	(ifvalue) =	ssetifvalue $0x7FFFFFFF;
	v0 =	vld.msk [tilespmem:s14+$0x0 ss:$0x1], $0xffff;
	_ =	sdelay $0x4  }
0x2d: {  	s15 =	sadd.s32 $0x10, s14;
	vm1 =	vgt.s32 v0, $0x0  }
0x2e: {  	v2 =	vld.msk [tilespmem:s15+$0x0 ss:$0x1], $0xffff;
	v1 =	vnsel vm1, $0x0, v0  }
0x2f: {  	v1 =	vmin.u32 v1, $0xF423F;
	_ =	sdelay $0x1  }
0x30: {  	s16 =	sshll.u32 s12, $0x8;
	s18 =	simm.s32 $0x20  }
0x31: {  	s16 =	sand.u32 $0x100, s16;
	s17 =	sadd.s32 $0x10, s15;
	s15 =	sor.u32 $0x200, s14  }
0x32: {  	s14 =	sor.u32 $0x200, s16;
	s16 =	sadd.s32 $0x10, s15;
	v0 =	vld.msk [tilespmem:s17+$0x0 ss:$0x1], $0xffff;
	vm1 =	vgt.s32 v2, $0x0;
	(ifvalue) =	ssetifvalue $0x7FFFFFFF  }
.LBB2_3:
0x33: {  	[tilespmem:s15], [sflag:$0x1] =	stream.indirect_vreg.gather [hbm4b:s4+s10], $0x1, v1, vm0, $0x4038;
	[tilespmem:$0x400] =	vst v63  }
0x34: {  	s18 =	sadd.s32 $0x10, s18  }
0x35: {  	v2 =	vnsel vm1, $0x0, v2;
	p1 =	slt.u32 s18, $0xF0  }
.Ltmp3:
0x36: {  	s15 =	smov.u32 s16;
	v1 =	vmin.u32 v2, $0xF423F;
	(pc) =	sbr.rel @p1 .LBB2_3-.Ltmp3, $3  }
0x37: {  	_ =	sdelay $0x1  }
0x38: {  	s17 =	sadd.s32 $0x10, s17  }
0x39: {  	vm1 =	vgt.s32 v0, $0x0;
	s16 =	sadd.s32 $0x10, s16;
	v2 =	vmov v0;
	(ifvalue) =	ssetifvalue $0x7FFFFFFF;
	v0 =	vld.msk [tilespmem:s17+$0x0 ss:$0x1], $0xffff  }
.Ltmp4:
0x3a: {  	_ = 	snop;
	(pc) =	sbr.rel .LBB2_4-.Ltmp4, $1  }
0x3b: {  	_ =	sdelay $0x3  }
.LBB2_6:
0x3c: {  	_ =	sfence.sel $0x180000  }
0x3d: {  	s2 =	simm.s32 $0x2;
	[bflag:$0x0] =	sbarrier.arrive $0xFFFF  }
0x3e: {  	s30 =	simm.s32 $0x3;
	[sflag:s2] =	ssyncpa.u1 $0x1  }
0x3f: {  	s31 =	simm.s32 $0x1;
	[sflag:s30] =	ssyncpa.u1 $0x1  }
0x40: {  	[sflag:s31] =	ssyncpa.u1 $0x1  }
0x41: {  	p0 =	sne.s32 s0, $0x0;
	_ =	strace $0x90000047  }
0x42: {  	s0 =	sadd.s32 @!p0 $0x100000, s1;
	[bflag:$0x2] =	sbarrier.arrive $0xFFFF  }
0x43: {  	[sflag:s0] =	ssyncadd.tile.s32 @!p0 $0x1;
	_ =	shalt  }
.Lfunc_end2:
_tile_overlayer_lowered:
.L_overlay_start_2:
0x44: {  	(tag) =	ssettag $0x2  }
0x45: {  	s0 =	rddreg [dreg:$0x0];
	s2 =	stileid.u32  }
0x46: {  	s1 =	rddreg [dreg:$0x1];
	p0 =	sne.s32 s2, $0x0  }
0x47: {  	s3 =	rddreg [dreg:$0x2];
	[bflag:$0x3] =	sbarrier.arrive $0xFFFF;
	s2 =	simm.s32 @!p0 $0x1C01  }
0x48: {  	[timem:s3], [sflag:s2] =	dma.local @!p0 [hbm:s0], s1  }
0x49: {  	s0 =	simm.s32 @!p0 $0x1  }
0x4a: {  	_ =	swait.ge @!p0 [sflag:s0], s1  }
0x4b: {  	s1 =	ssub.s32 @!p0 $0x0, s1;
	[sflag:s0] =	ssyncset.done @!p0 $0x0  }
0x4c: {  	[sflag:s0] =	ssyncadd.s32 @!p0 s1  }
0x4d: {  	[bflag:$0x3] =	sbarrier.arrive $0xFFFF  }
0x4e: {  	_ =	shalt  }

// kernel: kernel.3.cloned.1.call-start
scs
__scs_entry_jumppad:
0x0: {  	(pc) =	sbr.rel $0x88, $3  }
0x1: {  	(tag) =	ssettag $0x0;
	lr =	simm.s32 $0x1  }
0x2: {  	[smem:$0x3F9D] =	sst lr;
	_ =	strace $0xD0000000  }
0x3: {  	_ = 	snop  }
0x4: {  	_ = 	snop  }
0x5: {  	_ = 	snop  }
0x6: {  	_ = 	snop  }
0x7: {  	_ = 	snop  }
__scs_overlays_trampoline_lowered:
0x8: {  	[smem:$0x3FAC] =	sst s0  }
0x9: {  	[smem:$0x3FAD] =	sst s1  }
0xa: {  	[smem:$0x3FAE] =	sst s2  }
0xb: {  	[smem:$0x3FAF] =	sst s3  }
0xc: {  	[smem:$0x3FB0] =	sst s4  }
0xd: {  	[smem:$0x3FB1] =	sst s5  }
0xe: {  	[smem:$0x3FB2] =	sst s6  }
0xf: {  	[smem:$0x3FB3] =	sst s7  }
0x10: {  	[smem:$0x3FB4] =	sst s8  }
0x11: {  	[smem:$0x3FB5] =	sst s9;
	s0 =	simm.s32 @!p0 $0x0  }
0x12: {  	s1 =	sld [smem:$0x3F9B];
	s0 =	simm.s32 @p0 $0x1  }
0x13: {  	[smem:$0x3FB6] =	sst s0;
	s0 =	simm.s32 @!p1 $0x0  }
0x14: {  	s2 =	sld [smem:$0x3F9A];
	s0 =	simm.s32 @p1 $0x1  }
0x15: {  	[smem:$0x3FB7] =	sst s0;
	s0 =	simm.s32 @!p2 $0x0  }
0x16: {  	s3 =	sld [smem:$0x3FDB];
	s0 =	simm.s32 @p2 $0x1  }
0x17: {  	s4 =	simm.s32 $0x1BF5;
	[smem:$0x3FB9] =	sst s0  }
0x18: {  	s0 =	sld [smem:$0x3F9C];
	_ =	swait.ge [sflag:s4], $0x0  }
0x19: {  	s7 =	sld [smem:$0x3F9D]  }
0x1a: {  	s8 =	sadd.s32 $0xFFFFE003, lr  }
0x1b: {  	s9 =	sadd.s32 $0xFFFFFEF7, lr;
	s5 =	simm.s32 $0xFFFFFFFF;
	p2 =	slt.u32 s8, $0xFFFFF086  }
0x1c: {  	p1 =	slt.u32 s9, $0xF7A;
	s5 =	simm.s32 @!p2 $0x0  }
0x1d: {  	s5 =	simm.s32 @p1 $0x1;
	p0 =	seq.s32 s7, s2  }
0x1e: {  	s7 =	smul.u32 @!p0 $0xF7A, s2;
	p2 =	seq.s32 @!p0 s5, $0x0  }
0x1f: {  	s9 =	smul.u32 $0xF7A, s1;
	s8 =	simm.s32 @!p0 $0x1BF5;
	p2 =	por !p2, p0  }
0x20: {  	[sflag:s8] =	ssyncset.s32 @!p0 $0xFFFFF086;
	s6 =	sadd.s32 @!p0 s3, s7;
	s7 =	simm.s32 @!p0 $0x108  }
0x21: {  	s3 =	sadd.s32 s3, s9;
	s6 =	sadd.s32 @!p0 $0x88, s6;
	s7 =	simm.s32 @p2 $0x1082  }
0x22: {  	[simem:s7], [sflag:s8] =	dma.local @!p0 [hbm:s6], $0xF7A  }
0x23: {  	s9 =	sor.u32 $0xD0000000, s2;
	s6 =	simm.s32 $0x108;
	_ =	swait.ge @!p0 [sflag:s8], $0x0  }
0x24: {  	s3 =	sadd.s32 $0x88, s3;
	s6 =	simm.s32 @!p1 $0x1082;
	[sflag:s4] =	ssyncset.s32 $0xFFFFF086  }
0x25: {  	[simem:s6], [sflag:s4] =	dma.local [hbm:s3], $0xF7A  }
0x26: {  	[smem:$0x3F9D] =	sst s1;
	(tag) =	ssettag s2;
	_ =	strace s9  }
0x27: {  	s1 =	sld [smem:$0x3FAD]  }
0x28: {  	s2 =	sld [smem:$0x3FAE]  }
0x29: {  	s4 =	sld [smem:$0x3FB0]  }
0x2a: {  	p0 =	seq.s32 s5, $0x0;
	s5 =	sld [smem:$0x3FB1]  }
0x2b: {  	s6 =	sld [smem:$0x3FB2]  }
0x2c: {  	s7 =	sld [smem:$0x3FB3]  }
0x2d: {  	s3 =	simm.s32 $0x108;
	s8 =	sld [smem:$0x3FB4]  }
0x2e: {  	s3 =	simm.s32 @!p0 $0x1082;
	s9 =	sld [smem:$0x3FB5]  }
0x2f: {  	lr =	sadd.s32 s0, s3;
	s0 =	sld [smem:$0x3FAC]  }
0x30: {  	s3 =	sld [smem:$0x3FAF]  }
0x31: {  	[smem:$0x3FB8] =	sst s10  }
0x32: {  	s10 =	sld [smem:$0x3FB6];
	_ =	sdelay $0x3  }
0x33: {  	p0 =	seq.s32 s10, $0x1;
	s10 =	sld [smem:$0x3FB8];
	_ =	sdelay $0x3  }
0x34: {  	[smem:$0x3FB8] =	sst s10  }
0x35: {  	s10 =	sld [smem:$0x3FB7];
	_ =	sdelay $0x3  }
0x36: {  	p1 =	seq.s32 s10, $0x1;
	s10 =	sld [smem:$0x3FB8];
	_ =	sdelay $0x3  }
0x37: {  	[smem:$0x3FB8] =	sst s10  }
0x38: {  	s10 =	sld [smem:$0x3FB9]  }
0x39: {  	_ = 	snop;
	(pc) =	sbr.ind lr, $3  }
0x3a: {  	_ = 	snop  }
0x3b: {  	_ = 	snop  }
0x3c: {  	p2 =	seq.s32 s10, $0x1;
	s10 =	sld [smem:$0x3FB8]  }
0x3d: {  	_ =	shalt  }
0x3e: {  	_ =	shalt  }
0x3f: {  	_ =	shalt  }
0x40: {  	_ =	shalt  }
0x41: {  	_ =	shalt  }
0x42: {  	_ =	shalt  }
0x43: {  	_ =	shalt  }
0x44: {  	_ =	shalt  }
0x45: {  	_ =	shalt  }
0x46: {  	_ =	shalt  }
0x47: {  	_ =	shalt  }
0x48: {  	_ =	shalt  }
0x49: {  	_ =	shalt  }
0x4a: {  	_ =	shalt  }
0x4b: {  	_ =	shalt  }
0x4c: {  	_ =	shalt  }
0x4d: {  	_ =	shalt  }
0x4e: {  	_ =	shalt  }
0x4f: {  	_ =	shalt  }
0x50: {  	_ =	shalt  }
0x51: {  	_ =	shalt  }
0x52: {  	_ =	shalt  }
0x53: {  	_ =	shalt  }
0x54: {  	_ =	shalt  }
0x55: {  	_ =	shalt  }
0x56: {  	_ =	shalt  }
0x57: {  	_ =	shalt  }
0x58: {  	_ =	shalt  }
0x59: {  	_ =	shalt  }
0x5a: {  	_ =	shalt  }
0x5b: {  	_ =	shalt  }
0x5c: {  	_ =	shalt  }
0x5d: {  	_ =	shalt  }
0x5e: {  	_ =	shalt  }
0x5f: {  	_ =	shalt  }
0x60: {  	_ =	shalt  }
0x61: {  	_ =	shalt  }
0x62: {  	_ =	shalt  }
0x63: {  	_ =	shalt  }
0x64: {  	_ =	shalt  }
0x65: {  	_ =	shalt  }
0x66: {  	_ =	shalt  }
0x67: {  	_ =	shalt  }
0x68: {  	_ =	shalt  }
0x69: {  	_ =	shalt  }
0x6a: {  	_ =	shalt  }
0x6b: {  	_ =	shalt  }
0x6c: {  	_ =	shalt  }
0x6d: {  	_ =	shalt  }
0x6e: {  	_ =	shalt  }
0x6f: {  	_ =	shalt  }
0x70: {  	_ =	shalt  }
0x71: {  	_ =	shalt  }
0x72: {  	_ =	shalt  }
0x73: {  	_ =	shalt  }
0x74: {  	_ =	shalt  }
0x75: {  	_ =	shalt  }
0x76: {  	_ =	shalt  }
0x77: {  	_ =	shalt  }
0x78: {  	_ =	shalt  }
0x79: {  	_ =	shalt  }
0x7a: {  	_ =	shalt  }
0x7b: {  	_ =	shalt  }
0x7c: {  	_ =	shalt  }
0x7d: {  	_ =	shalt  }
0x7e: {  	_ =	shalt  }
0x7f: {  	_ =	shalt  }
0x80: {  	_ =	shalt  }
0x81: {  	_ =	shalt  }
0x82: {  	_ =	shalt  }
0x83: {  	_ =	shalt  }
0x84: {  	_ =	shalt  }
0x85: {  	_ =	shalt  }
0x86: {  	_ =	shalt  }
0x87: {  	_ =	shalt  }
.Lfunc_end0:
.L_simem_size_0:
called_computation.4_lowered:
.L_overlay_start_0:
0x88: {  	s2 =	sld [smem:$0x3FD9]  }
0x89: {  	s3 =	sld [smem:$0x3FFE];
	_ =	sdelay $0x1  }
0x8a: {  	s1 =	srdreg.scid  }
0x8b: {  	s0 =	sand.u32 $0x1, s1  }
0x8c: {  	s17 =	sshll.u32 s0, $0xA;
	s2 =	sadd.s32 s3, s2  }
0x8d: {  	s2 =	sadd.s32 s2, s17  }
0x8e: {  	[smem:$0x3FC4] =	sst s2  }
0x8f: {  	_ = 	snop  }
0x90: {  	s2 =	sld [smem:$0x3FD0];
	(tm) =	ssettm $0x1  }
0x91: {  	s18 =	sld [smem:$0x3FFB];
	_ =	sdelay $0x3  }
0x92: {  	_ =	strace s18  }
0x93: {  	s3 =	sld [smem:$0x3FFC];
	_ =	sdelay $0x3  }
0x94: {  	_ =	strace s3  }
0x95: {  	s3 =	sld [smem:$0x3FFD];
	_ =	sdelay $0x3  }
0x96: {  	_ =	strace s3  }
0x97: {  	_ =	strace $0x8FFFFFFF  }
0x98: {  	s19 =	sld [smem:$0x3FDB];
	_ =	sdelay $0x1  }
0x99: {  	s4 =	simm.s32 $_scs_section_size  }
0x9a: {  	s5 =	simm.s32 $_size__tile_overlayer_lowered;
	s6 =	simm.s32 $_tile_overlayer_lowered  }
0x9b: {  	s22 =	simm.s32 $0x1BFF;
	s21 =	sshll.u32 s6, $0x1;
	s3 =	sadd.s32 s4, s19  }
0x9c: {  	s7 =	simm.s32 $0x0;
	s20 =	sshll.u32 s5, $0x1;
	s5 =	sadd.s32 s21, s3  }
0x9d: {  	[timem:s7], [sflag:s22] =	dma.local [hbm:s5], s20  }
0x9e: {  	_ =	swait.ge [sflag:s22], s20  }
0x9f: {  	s4 =	ssub.s32 $0x0, s20;
	[sflag:s22] =	ssyncset.done $0x0  }
0xa0: {  	[sflag:s22] =	ssyncadd.s32 s4;
	_ =	sdelay $0x1  }
0xa1: {  	s23 =	simm.s32 $0x1B8B  }
0xa2: {  	_ =	swait.ge [sflag:s23], $0x1  }
0xa3: {  	[sflag:s23] =	ssyncset.done $0x0  }
0xa4: {  	s25 =	simm.s32 $0x1B8E;
	s24 =	sld [smem:$0x3FFE];
	[sflag:s23] =	ssyncadd.s32 $0xFFFFFFFF  }
0xa5: {  	s26 =	simm.s32 $execute0_lowered;
	[smem:$0x3FD2] =	sst s25  }
0xa6: {  	s5 =	sshll.u32 s26, $0x1;
	_ =	strace $0x8000004F;
	[dreg:$0x1] =	wrdreg $0xFFFFFFFF  }
0xa7: {  	s28 =	simm.s32 $_size_execute0_lowered;
	s3 =	sadd.s32 s3, s5;
	[dreg:$0x0] =	wrdreg $0x0  }
0xa8: {  	s5 =	sshll.u32 s28, $0x1;
	[dreg:$0x2] =	wrdreg s3  }
0xa9: {  	[dreg:$0x3] =	wrdreg s5  }
0xaa: {  	[dreg:$0x4] =	wrdreg $0xC0  }
0xab: {  	_ =	task [dreg:s7], $0x5FFFF  }
0xac: {  	[dreg:$0x1] =	wrdreg $0xFFFFFFFF  }
0xad: {  	[dreg:$0x0] =	wrdreg $0x60  }
0xae: {  	[dreg:$0x2] =	wrdreg s24  }
0xaf: {  	[dreg:$0x3] =	wrdreg s2  }
0xb0: {  	[dreg:$0x4] =	wrdreg $0x9  }
0xb1: {  	_ =	task.clear_ibuf [dreg:s7], $0x5FFFF;
	_ =	strace $0x9000004F  }
0xb2: {  	s29 =	simm.s32 $0x9;
	_ =	strace $0x80000051  }
0xb3: {  	_ =	swait.ge [sflag:s29], $0x1  }
0xb4: {  	[sflag:s29] =	ssyncadd.s32 $0xFFFFFFFF  }
0xb5: {  	_ =	strace $0x90000051  }
0xb6: {  	_ =	sfence  }
0xb7: {  	s30 =	sld [smem:$0x0];
	_ =	sdelay $0x2  }
0xb8: {  	s31 =	sshll.u32 s1, $0xD;
	s1 =	sshrl.u32 s1, $0x2  }
0xb9: {  	s3 =	sand.u32 $0x4000, s31;
	s1 =	sadd.s32 s1, s30  }
0xba: {  	s0 =	sor.u32 s3, s0;
	s1 =	sshll.u32 s1, $0x11  }
0xbb: {  	s0 =	sor.u32 s1, s0  }
0xbc: {  	s0 =	sadd.s32 $0x8F2B, s0  }
0xbd: {  	[sflag:s0] =	ssyncadd.remote.s32 $0x1  }
0xbe: {  	_ =	sfence.sel $0xFFFF  }
0xbf: {  	[dreg:$0x0] =	wrdreg $0xFFFFFFFF;
	(pc) =	sbr.abs _section_cstart, $3  }
0xc0: {  	[dreg:$0x1] =	wrdreg $0xFFFFFFFF  }
0xc1: {  	_ =	task.clear_ibuf [dreg:s7], $0x2FFFF;
	_ =	strace $0x9FFFFFFF  }
0xc2: {  	(tm) =	ssettm $0x7FFFFFFF  }
0xc3: {  	_ =	shalt  }
tec
execute0_lowered:
.L_overlay_start_1:
0x0: {  	(tag) =	ssettag $0x1  }
0x1: {  	s7 =	rddreg [dreg:$0x0]  }
0x2: {  	s1 =	rddreg [dreg:$0x1]  }
0x3: {  	s0 =	rddreg [dreg:$0x2]  }
0x4: {  	s3 =	simm.s32 $0x0;
	s4 =	srdreg.scid;
	s2 =	stileid.u32  }
0x5: {  	s11 =	simm.s32 $0x4100;
	s12 =	simm.s32 $0x2;
	s13 =	simm.s32 $0x4110  }
0x6: {  	s14 =	simm.s32 $0x4120;
	s15 =	simm.s32 $0x80;
	s16 =	simm.s32 $0x100  }
0x7: {  	s17 =	simm.s32 $0x1;
	s18 =	simm.s32 $0x2100;
	s19 =	simm.s32 $0x0  }
0x8: {  	[smem:$0x7FF] =	sst s3;
	s5 =	sand.u32 $0x1, s4;
	s6 =	sshll.u32 s2, $0x2  }
.Ltmp0:
0x9: {  	s4 =	sadd.s32 $0x22400, s7;
	s8 =	sshll.u32 s5, $0x1;
	(pc) =	sbr.rel .LBB2_1-.Ltmp0, $4  }
0xa: {  	_ =	strace $0x80000050;
	s31 =	ssub.s32 $0x2, s5;
	s6 =	sor.u32 s8, s6  }
0xb: {  	s5 =	sadd.s32 $0x21A00, s7;
	s10 =	sshrl.u32 s31, $0x1;
	s9 =	sadd.s32 s6, s7  }
0xc: {  	s6 =	sadd.s32 $0x1800, s7;
	s7 =	sadd.s32 $0x21800, s7;
	s10 =	ssub.s32 s31, s10  }
0xd: {  	v0 =	vlaneseq.u32;
	s8 =	sadd.s32 $0x800, s9;
	s9 =	sadd.s32 $0x1200, s9;
	s10 =	smax.u32 s10, $0x1  }
.LBB2_7:
0xe: {  	s19 =	sadd.s32 $0x1, s19  }
0xf: {  	p0 =	sne.s32 s19, s10  }
.Ltmp1:
0x10: {  	_ = 	snop;
	(pc) =	sbr.rel @!p0 .LBB2_8-.Ltmp1, $1  }
0x11: {  	_ =	sdelay $0x3  }
.LBB2_1:
0x12: {  	[tilespmem:s11], [sflag:$0x2] =	stream.linear.gather [hbm4b:s7+s3], $0x10, $0x38;
	[tilespmem:$0x4130] =	vst v63  }
0x13: {  	_ =	swait.ge [sflag:s12], $0x10  }
0x14: {  	[sflag:s12] =	ssyncset.done $0x0  }
0x15: {  	[sflag:s12] =	ssyncadd.s32 $0xFFFFFFF0  }
0x16: {  	[tilespmem:s13], [sflag:$0x2] =	stream.linear.gather [hbm4b:s8+s3], $0x10, $0x38;
	[tilespmem:$0x4130] =	vst v63  }
0x17: {  	_ =	swait.ge [sflag:s12], $0x10  }
0x18: {  	[sflag:s12] =	ssyncset.done $0x0  }
0x19: {  	[sflag:s12] =	ssyncadd.s32 $0xFFFFFFF0  }
0x1a: {  	[tilespmem:s14], [sflag:$0x2] =	stream.linear.gather [hbm4b:s9+s3], $0x10, $0x38;
	[tilespmem:$0x4130] =	vst v63  }
0x1b: {  	_ =	swait.ge [sflag:s12], $0x10  }
0x1c: {  	[sflag:s12] =	ssyncset.done $0x0  }
0x1d: {  	[sflag:s12] =	ssyncadd.s32 $0xFFFFFFF0  }
0x1e: {  	v1 =	vld [tilespmem:$0x4110]  }
0x1f: {  	v2 =	vld [tilespmem:$0x4120];
	_ =	sdelay $0x3  }
0x20: {  	v1 =	vxor.u32 $0x80000000, v1  }
0x21: {  	(xrf0) =	vmax.scan.msk.u32 $0xffff, v1;
	v1 =	vxor.u32 $0x80000000, v2  }
0x22: {  	(xrf0) =	vmax.scan.msk.u32 $0xffff, v1;
	_ =	sdelay $0x4  }
0x23: {  	v1, _, _ =	vpop (xrf0)  }
0x24: {  	(v2sf) =	vpush v1, $0xF;
	v1, _, _ =	vpop (xrf0)  }
0x25: {  	(v2sf) =	vpush v1, $0xF;
	_ =	sdelay $0xc  }
0x26: {  	v1 =	vld [tilespmem:$0x4100]  }
.Ltmp2:
0x27: {  	s20 =	spop (v2sf);
	(pc) =	sbr.rel .LBB2_2-.Ltmp2, $4  }
0x28: {  	s21 =	spop (v2sf)  }
0x29: {  	s20 =	sxor.u32 $0x80000000, s20;
	s23 =	sxor.u32 $0x80000000, s21  }
0x2a: {  	s21 =	sadd.s32 s20, s23  }
0x2b: {  	v2 =	vsub.f32 $1.000000000e+00, v1;
	s22 =	sand.u32 $0xFFFFFFF8, s20;
	v3 =	vmov s20;
	p0 =	slt.s32 s23, $0x1;
	s23 =	simm.s32 $0x0;
	v4 =	vmov s21  }
.LBB2_6:
0x2c: {  	s23 =	sadd.s32 $0x1, s23  }
0x2d: {  	p1 =	sne.s32 s23, $0x81  }
.Ltmp3:
0x2e: {  	_ = 	snop;
	(pc) =	sbr.rel @!p1 .LBB2_7-.Ltmp3, $1  }
0x2f: {  	_ =	sdelay $0x3  }
.LBB2_2:
0x30: {  	s24 =	sshll.u32 s23, $0x7  }
0x31: {  	s25 =	sadd.s32 s22, s24  }
0x32: {  	p1 =	sge.s32 @!p0 s25, s21  }
0x33: {  	p1 =	por p0, p1  }
.Ltmp4:
0x34: {  	_ = 	snop;
	(pc) =	sbr.rel @p1 .LBB2_6-.Ltmp4, $1  }
0x35: {  	_ =	sdelay $0x3  }
0x36: {  	s26 =	sshrl.u32 s25, $0x3  }
0x37: {  	s24 =	simm.s32 $0x0;
	s28 =	sadd.s32 s4, s26  }
0x38: {  	[tilespmem:s24], [sflag:$0x2] =	stream.linear.gather [hbm4b:s28+s24], $0x80, $0x38;
	[tilespmem:$0x4130] =	vst v63  }
0x39: {  	_ =	swait.ge [sflag:s12], $0x80  }
0x3a: {  	[sflag:s12] =	ssyncset.done $0x0  }
0x3b: {  	s26 =	sadd.s32 s5, s26;
	[sflag:s12] =	ssyncadd.s32 $0xFFFFFF80  }
0x3c: {  	[tilespmem:s15], [sflag:$0x2] =	stream.linear.gather [hbm4b:s26+s24], $0x80, $0x38;
	[tilespmem:$0x4130] =	vst v63  }
0x3d: {  	_ =	swait.ge [sflag:s12], $0x80  }
0x3e: {  	[sflag:s12] =	ssyncset.done $0x0  }
0x3f: {  	[sflag:s12] =	ssyncadd.s32 $0xFFFFFF80  }
0x40: {  	s26 =	ssub.s32 s20, s25;
	v5 =	vld [tilespmem:$0x0]  }
0x41: {  	p1 =	sgt.s32 s26, $0x0;
	v6 =	vld [tilespmem:$0x80]  }
0x42: {  	s26 =	simm.s32 @!p1 $0x0  }
0x43: {  	v7 =	vmov s26  }
0x44: {  	vm0 =	veq.s32 v7, v0  }
0x45: {  	v7 =	vnsel vm0, $0x0, v5  }
0x46: {  	(xrf0) =	vadd.scan.msk.s32 $0xffff, v7;
	v7 =	vnsel vm0, $0x0, v6  }
0x47: {  	(xrf0) =	vadd.scan.msk.s32 $0xffff, v7;
	_ =	sdelay $0x4  }
0x48: {  	v8 =	vadd.s32 s25, v0;
	v9 =	vld [tilespmem:$0x10];
	v7, _, _ =	vpop (xrf0)  }
0x49: {  	s29 =	sadd.s32 $0x10, s25;
	vm7 =	vge.s32 v8, v3;
	vm1 =	vlt.s32 v8, v4;
	v8 =	vld [tilespmem:$0x90];
	v7 =	vbroadcast v7, $0xF;
	v10, _, _ =	vpop (xrf0)  }
0x4a: {  	v11 =	vadd.s32 s29, v0;
	v12 =	vld [tilespmem:$0x20];
	vm0 =	vmand vm7, vm1;
	v10 =	vbroadcast v10, $0xF  }
0x4b: {  	s30 =	sadd.s32 $0x20, s25;
	vm8 =	vge.s32 v11, v3;
	vm2 =	vlt.s32 v11, v4;
	v11 =	vld [tilespmem:$0xA0];
	v5 =	vsel vm0, v5, v7  }
0x4c: {  	vm9 =	vmand vm8, vm2;
	v13 =	vld [tilespmem:$0x30];
	[tilespmem:$0x0] =	vst v5;
	v5 =	vsel vm0, v6, v10;
	v6 =	vadd.s32 s30, v0  }
0x4d: {  	s31 =	sadd.s32 $0x30, s25;
	[tilespmem:$0x80] =	vst v5;
	v5 =	vsel vm9, v9, v7;
	vm10 =	vge.s32 v6, v3;
	vm11 =	vlt.s32 v6, v4;
	v6 =	vld [tilespmem:$0xB0]  }
0x4e: {  	v9 =	vld [tilespmem:$0x40];
	[tilespmem:$0x10] =	vst v5;
	v5 =	vsel vm9, v8, v10;
	vm12 =	vmand vm10, vm11;
	v8 =	vadd.s32 s31, v0  }
0x4f: {  	s28 =	sadd.s32 $0x40, s25;
	[tilespmem:$0x90] =	vst v5;
	v5 =	vsel vm12, v12, v7;
	vm13 =	vge.s32 v8, v3;
	vm14 =	vlt.s32 v8, v4;
	v8 =	vld [tilespmem:$0xC0]  }
0x50: {  	v59 =	vld [tilespmem:$0x50];
	[tilespmem:$0x20] =	vst v5;
	v5 =	vsel vm12, v11, v10;
	vm15 =	vmand vm13, vm14;
	v11 =	vadd.s32 s28, v0  }
0x51: {  	s29 =	sadd.s32 $0x50, s25;
	[tilespmem:$0xA0] =	vst v5;
	v5 =	vsel vm15, v13, v7;
	vm4 =	vge.s32 v11, v3;
	vm5 =	vlt.s32 v11, v4;
	v11 =	vld [tilespmem:$0xD0]  }
0x52: {  	v60 =	vld [tilespmem:$0x60];
	[tilespmem:$0x30] =	vst v5;
	v5 =	vsel vm15, v6, v10;
	vm6 =	vmand vm4, vm5;
	v6 =	vadd.s32 s29, v0  }
0x53: {  	s30 =	sadd.s32 $0x60, s25;
	[tilespmem:$0xB0] =	vst v5;
	v5 =	vsel vm6, v9, v7;
	vm7 =	vge.s32 v6, v3;
	vm8 =	vlt.s32 v6, v4;
	v6 =	vld [tilespmem:$0xE0]  }
0x54: {  	v9 =	vld [tilespmem:$0x70];
	[tilespmem:$0x40] =	vst v5;
	v5 =	vsel vm6, v8, v10;
	vm9 =	vmand vm7, vm8;
	v8 =	vadd.s32 s30, v0  }
0x55: {  	s31 =	sadd.s32 $0x70, s25;
	[tilespmem:$0xC0] =	vst v5;
	v5 =	vsel vm9, v59, v7;
	vm10 =	vge.s32 v8, v3;
	vm11 =	vlt.s32 v8, v4;
	v8 =	vld [tilespmem:$0xF0]  }
0x56: {  	[tilespmem:$0x50] =	vst v5;
	v5 =	vsel vm9, v11, v10;
	vm12 =	vmand vm10, vm11;
	v11 =	vadd.s32 s31, v0  }
0x57: {  	[tilespmem:$0xD0] =	vst v5;
	v5 =	vsel vm12, v60, v7;
	vm13 =	vge.s32 v11, v3;
	vm14 =	vlt.s32 v11, v4  }
0x58: {  	v6 =	vsel vm12, v6, v10;
	[tilespmem:$0x60] =	vst v5;
	vm15 =	vmand vm13, vm14  }
0x59: {  	[tilespmem:$0xE0] =	vst v6;
	v5 =	vsel vm15, v9, v7  }
0x5a: {  	[tilespmem:$0x70] =	vst v5;
	v5 =	vsel vm15, v8, v10  }
0x5b: {  	[tilespmem:$0xF0] =	vst v5  }
0x5c: {  	[tilespmem:s16], [sflag:$0x1] =	stream.indirect.gather [hbm4b:s1+s15], $0x40, s24, s15, $0xb8;
	[tilespmem:$0x4130] =	vst v63  }
0x5d: {  	_ =	swait.ge [sflag:s17], $0x2000  }
0x5e: {  	[sflag:s17] =	ssyncset.done $0x0  }
0x5f: {  	[sflag:s17] =	ssyncadd.s32 $0xFFFFE000  }
0x60: {  	[tilespmem:s18], [sflag:$0x1] =	stream.indirect.gather [hbm4b:s6+s15], $0x40, s15, s15, $0xb8;
	[tilespmem:$0x4130] =	vst v63  }
0x61: {  	_ =	swait.ge [sflag:s17], $0x2000  }
0x62: {  	[sflag:s17] =	ssyncset.done $0x0  }
0x63: {  	s24 =	simm.s32 $0x0;
	[sflag:s17] =	ssyncadd.s32 $0xFFFFE000  }
0x64: {  	v5 =	vld [tilespmem:s24+$0x2110]  }
0x65: {  	v6 =	vld [tilespmem:s24+$0x2100]  }
0x66: {  	v7 =	vld [tilespmem:s24+$0x2120]  }
0x67: {  	v8 =	vld [tilespmem:s24+$0x100]  }
0x68: {  	v9 =	vld [tilespmem:s24+$0x110]  }
0x69: {  	v10 =	vld [tilespmem:s24+$0x2130]  }
0x6a: {  	v11 =	vld [tilespmem:s24+$0x120]  }
0x6b: {  	v61 =	vld [tilespmem:s24+$0x130]  }
0x6c: {  	v62 =	vmul.f32 v5, v1;
	v5 =	vmul.f32 v6, v1  }
0x6d: {  	v6 =	vmul.f32 v8, v2;
	v8 =	vmul.f32 v9, v2  }
0x6e: {  	v7 =	vmul.f32 v7, v1  }
0x6f: {  	v5 =	vadd.f32 v5, v6;
	v6 =	vadd.f32 v62, v8;
	v8 =	vmul.f32 v11, v2  }
0x70: {  	v9 =	vmul.f32 v61, v2;
	v10 =	vmul.f32 v10, v1  }
0x71: {  	v11 =	vmul.f32 v5, v5;
	v63 =	vmul.f32 v6, v6;
	v7 =	vadd.f32 v7, v8;
	_ =	sdelay $0x1  }
0x72: {  	v8 =	vadd.f32 v10, v9;
	v9 =	vadd.f32 v63, v11;
	v10 =	vmul.f32 v7, v7;
	_ =	sdelay $0x1  }
0x73: {  	v9 =	vadd.f32 v10, v9;
	v10 =	vmul.f32 v8, v8;
	_ =	sdelay $0x1  }
0x74: {  	v9 =	vadd.f32 v10, v9;
	_ =	sdelay $0x1  }
0x75: {  	(xrf2) =	vadd.scan.msk.f32 $0xffff, v9;
	_ =	sdelay $0x9  }
0x76: {  	v9, _, _ =	vpop (xrf2)  }
0x77: {  	v9 =	vbroadcast v9, $0xF;
	_ =	sdelay $0x1  }
0x78: {  	v10 =	vshrl.u32 v9, $0x1;
	v11 =	vmul.f32 $5.000000000e-01, v9  }
0x79: {  	v9 =	vsub.s32 $0x5F3759DF, v10  }
0x7a: {  	v10 =	vmul.f32 v9, v11;
	_ =	sdelay $0x1  }
0x7b: {  	v10 =	vmul.f32 v9, v10;
	_ =	sdelay $0x1  }
0x7c: {  	v10 =	vsub.f32 $1.500000000e+00, v10;
	_ =	sdelay $0x1  }
0x7d: {  	v9 =	vmul.f32 v9, v10;
	_ =	sdelay $0x1  }
0x7e: {  	v10 =	vmul.f32 v9, v11;
	_ =	sdelay $0x1  }
0x7f: {  	v10 =	vmul.f32 v10, v9;
	_ =	sdelay $0x1  }
0x80: {  	v10 =	vsub.f32 $1.500000000e+00, v10;
	_ =	sdelay $0x1  }
0x81: {  	v9 =	vmul.f32 v10, v9;
	_ =	sdelay $0x1  }
0x82: {  	v10 =	vmul.f32 v9, v11;
	_ =	sdelay $0x1  }
0x83: {  	[tilespmem:s24+$0x110] =	vst v6;
	v10 =	vmul.f32 v10, v9  }
0x84: {  	[tilespmem:s24+$0x100] =	vst v5  }
0x85: {  	s25 =	simm.s32 $0x100;
	[tilespmem:s24+$0x120] =	vst v7;
	v10 =	vsub.f32 $1.500000000e+00, v10  }
.LBB2_4:
0x86: {  	_ = 	snop  }
0x87: {  	p1 =	sne.s32 s25, $0x7F00;
	s26 =	smov.u32 s25;
	s25 =	sadd.s32 $0x100, s25;
	v9 =	vmul.f32 v10, v9  }
0x88: {  	s26 =	sshra.s32 s26, $0x2  }
0x89: {  	v10 =	vld [tilespmem:s26+$0x2110];
	v5 =	vmul.f32 v9, v5;
	v6 =	vmul.f32 v9, v6  }
0x8a: {  	v7 =	vmul.f32 v9, v7;
	v8 =	vmul.f32 v9, v8;
	v11 =	vld [tilespmem:s26+$0x2100]  }
0x8b: {  	v9 =	vld [tilespmem:s26+$0x2120];
	[tilespmem:s24+$0x100] =	vst v5  }
0x8c: {  	v5 =	vld [tilespmem:s26+$0x100];
	[tilespmem:s24+$0x110] =	vst v6  }
0x8d: {  	v6 =	vld [tilespmem:s26+$0x110];
	[tilespmem:s24+$0x120] =	vst v7  }
0x8e: {  	v7 =	vmul.f32 v10, v1;
	v10 =	vld [tilespmem:s26+$0x2130];
	[tilespmem:s24+$0x130] =	vst v8;
	s24 =	smov.u32 s26  }
0x8f: {  	v8 =	vld [tilespmem:s24+$0x120]  }
0x90: {  	v12 =	vld [tilespmem:s24+$0x130]  }
0x91: {  	v11 =	vmul.f32 v11, v1  }
0x92: {  	v5 =	vmul.f32 v5, v2;
	v6 =	vmul.f32 v6, v2  }
0x93: {  	v9 =	vmul.f32 v9, v1  }
0x94: {  	v5 =	vadd.f32 v11, v5;
	v6 =	vadd.f32 v7, v6;
	v7 =	vmul.f32 v8, v2  }
0x95: {  	v10 =	vmul.f32 v10, v1;
	v8 =	vmul.f32 v12, v2  }
0x96: {  	v11 =	vmul.f32 v5, v5;
	[tilespmem:s24+$0x110] =	vst v6;
	v12 =	vmul.f32 v6, v6;
	v7 =	vadd.f32 v9, v7  }
0x97: {  	[tilespmem:s24+$0x100] =	vst v5;
	v8 =	vadd.f32 v10, v8  }
0x98: {  	v9 =	vadd.f32 v12, v11;
	[tilespmem:s24+$0x120] =	vst v7;
	v10 =	vmul.f32 v7, v7;
	_ =	sdelay $0x1  }
0x99: {  	v9 =	vadd.f32 v10, v9;
	v10 =	vmul.f32 v8, v8;
	_ =	sdelay $0x1  }
0x9a: {  	v9 =	vadd.f32 v10, v9;
	_ =	sdelay $0x1  }
0x9b: {  	(xrf2) =	vadd.scan.msk.f32 $0xffff, v9;
	_ =	sdelay $0x9  }
0x9c: {  	v9, _, _ =	vpop (xrf2)  }
0x9d: {  	v9 =	vbroadcast v9, $0xF;
	_ =	sdelay $0x1  }
0x9e: {  	v10 =	vshrl.u32 v9, $0x1;
	v11 =	vmul.f32 $5.000000000e-01, v9  }
0x9f: {  	v9 =	vsub.s32 $0x5F3759DF, v10  }
0xa0: {  	v10 =	vmul.f32 v9, v11;
	_ =	sdelay $0x1  }
0xa1: {  	v10 =	vmul.f32 v9, v10;
	_ =	sdelay $0x1  }
0xa2: {  	v10 =	vsub.f32 $1.500000000e+00, v10;
	_ =	sdelay $0x1  }
0xa3: {  	v9 =	vmul.f32 v9, v10;
	_ =	sdelay $0x1  }
0xa4: {  	v10 =	vmul.f32 v9, v11;
	_ =	sdelay $0x1  }
0xa5: {  	v10 =	vmul.f32 v10, v9;
	_ =	sdelay $0x1  }
0xa6: {  	v10 =	vsub.f32 $1.500000000e+00, v10;
	_ =	sdelay $0x1  }
0xa7: {  	v9 =	vmul.f32 v10, v9;
	_ =	sdelay $0x1  }
.Ltmp5:
0xa8: {  	v10 =	vmul.f32 v9, v11;
	(pc) =	sbr.rel @p1 .LBB2_4-.Ltmp5, $3  }
0xa9: {  	_ = 	snop  }
0xaa: {  	v10 =	vmul.f32 v10, v9;
	_ =	sdelay $0x1  }
0xab: {  	v10 =	vsub.f32 $1.500000000e+00, v10  }
0xac: {  	_ = 	snop  }
0xad: {  	v9 =	vmul.f32 v10, v9;
	_ =	sdelay $0x1  }
0xae: {  	v5 =	vmul.f32 v9, v5  }
0xaf: {  	v6 =	vmul.f32 v9, v6  }
0xb0: {  	v7 =	vmul.f32 v9, v7;
	[tilespmem:s24+$0x100] =	vst v5  }
0xb1: {  	v5 =	vmul.f32 v9, v8;
	[tilespmem:s24+$0x110] =	vst v6  }
0xb2: {  	[tilespmem:s24+$0x120] =	vst v7  }
.Ltmp6:
0xb3: {  	[tilespmem:s24+$0x130] =	vst v5;
	(pc) =	sbr.rel .LBB2_6-.Ltmp6, $4  }
0xb4: {  	[hbm4b:s1+s15] =	stream.indirect.scatter [tilespmem:s16], [sflag:$0x1], $0x40, s3, s15, $0xb8;
	[tilespmem:$0x4130] =	vst v63  }
0xb5: {  	_ =	swait.ge [sflag:s17], $0x2000  }
0xb6: {  	[sflag:s17] =	ssyncset.done $0x0  }
0xb7: {  	[sflag:s17] =	ssyncadd.s32 $0xFFFFE000  }
.LBB2_8:
0xb8: {  	_ =	sfence.sel $0x180000  }
0xb9: {  	[bflag:$0x0] =	sbarrier.arrive $0xFFFF  }
0xba: {  	p0 =	sne.s32 s2, $0x0;
	_ =	strace $0x90000050  }
0xbb: {  	s0 =	sadd.s32 @!p0 $0x100000, s0;
	[bflag:$0x2] =	sbarrier.arrive $0xFFFF  }
0xbc: {  	[sflag:s0] =	ssyncadd.tile.s32 @!p0 $0x1;
	_ =	shalt  }
.Lfunc_end2:
_tile_overlayer_lowered:
.L_overlay_start_2:
0xbd: {  	(tag) =	ssettag $0x2  }
0xbe: {  	s0 =	rddreg [dreg:$0x0];
	s2 =	stileid.u32  }
0xbf: {  	s1 =	rddreg [dreg:$0x1];
	p0 =	sne.s32 s2, $0x0  }
0xc0: {  	s3 =	rddreg [dreg:$0x2];
	[bflag:$0x3] =	sbarrier.arrive $0xFFFF;
	s2 =	simm.s32 @!p0 $0x1C02  }
0xc1: {  	[timem:s3], [sflag:s2] =	dma.local @!p0 [hbm:s0], s1  }
0xc2: {  	s0 =	simm.s32 @!p0 $0x2  }
0xc3: {  	_ =	swait.ge @!p0 [sflag:s0], s1  }
0xc4: {  	s1 =	ssub.s32 @!p0 $0x0, s1;
	[sflag:s0] =	ssyncset.done @!p0 $0x0  }
0xc5: {  	[sflag:s0] =	ssyncadd.s32 @!p0 s1  }
0xc6: {  	[bflag:$0x3] =	sbarrier.arrive $0xFFFF  }
0xc7: {  	_ =	shalt  }

// kernel: scatter_offload_async_start
scs
__scs_entry_jumppad:
0x0: {  	(pc) =	sbr.rel $0x88, $3  }
0x1: {  	(tag) =	ssettag $0x0;
	lr =	simm.s32 $0x1  }
0x2: {  	[smem:$0x3F9D] =	sst lr;
	_ =	strace $0xD0000000  }
0x3: {  	_ = 	snop  }
0x4: {  	_ = 	snop  }
0x5: {  	_ = 	snop  }
0x6: {  	_ = 	snop  }
0x7: {  	_ = 	snop  }
__scs_overlays_trampoline_lowered:
0x8: {  	[smem:$0x3FAC] =	sst s0  }
0x9: {  	[smem:$0x3FAD] =	sst s1  }
0xa: {  	[smem:$0x3FAE] =	sst s2  }
0xb: {  	[smem:$0x3FAF] =	sst s3  }
0xc: {  	[smem:$0x3FB0] =	sst s4  }
0xd: {  	[smem:$0x3FB1] =	sst s5  }
0xe: {  	[smem:$0x3FB2] =	sst s6  }
0xf: {  	[smem:$0x3FB3] =	sst s7  }
0x10: {  	[smem:$0x3FB4] =	sst s8  }
0x11: {  	[smem:$0x3FB5] =	sst s9;
	s0 =	simm.s32 @!p0 $0x0  }
0x12: {  	s1 =	sld [smem:$0x3F9B];
	s0 =	simm.s32 @p0 $0x1  }
0x13: {  	[smem:$0x3FB6] =	sst s0;
	s0 =	simm.s32 @!p1 $0x0  }
0x14: {  	s2 =	sld [smem:$0x3F9A];
	s0 =	simm.s32 @p1 $0x1  }
0x15: {  	[smem:$0x3FB7] =	sst s0;
	s0 =	simm.s32 @!p2 $0x0  }
0x16: {  	s3 =	sld [smem:$0x3FDB];
	s0 =	simm.s32 @p2 $0x1  }
0x17: {  	s4 =	simm.s32 $0x1BF5;
	[smem:$0x3FB9] =	sst s0  }
0x18: {  	s0 =	sld [smem:$0x3F9C];
	_ =	swait.ge [sflag:s4], $0x0  }
0x19: {  	s7 =	sld [smem:$0x3F9D]  }
0x1a: {  	s8 =	sadd.s32 $0xFFFFE003, lr  }
0x1b: {  	s9 =	sadd.s32 $0xFFFFFEF7, lr;
	s5 =	simm.s32 $0xFFFFFFFF;
	p2 =	slt.u32 s8, $0xFFFFF086  }
0x1c: {  	p1 =	slt.u32 s9, $0xF7A;
	s5 =	simm.s32 @!p2 $0x0  }
0x1d: {  	s5 =	simm.s32 @p1 $0x1;
	p0 =	seq.s32 s7, s2  }
0x1e: {  	s7 =	smul.u32 @!p0 $0xF7A, s2;
	p2 =	seq.s32 @!p0 s5, $0x0  }
0x1f: {  	s9 =	smul.u32 $0xF7A, s1;
	s8 =	simm.s32 @!p0 $0x1BF5;
	p2 =	por !p2, p0  }
0x20: {  	[sflag:s8] =	ssyncset.s32 @!p0 $0xFFFFF086;
	s6 =	sadd.s32 @!p0 s3, s7;
	s7 =	simm.s32 @!p0 $0x108  }
0x21: {  	s3 =	sadd.s32 s3, s9;
	s6 =	sadd.s32 @!p0 $0x88, s6;
	s7 =	simm.s32 @p2 $0x1082  }
0x22: {  	[simem:s7], [sflag:s8] =	dma.local @!p0 [hbm:s6], $0xF7A  }
0x23: {  	s9 =	sor.u32 $0xD0000000, s2;
	s6 =	simm.s32 $0x108;
	_ =	swait.ge @!p0 [sflag:s8], $0x0  }
0x24: {  	s3 =	sadd.s32 $0x88, s3;
	s6 =	simm.s32 @!p1 $0x1082;
	[sflag:s4] =	ssyncset.s32 $0xFFFFF086  }
0x25: {  	[simem:s6], [sflag:s4] =	dma.local [hbm:s3], $0xF7A  }
0x26: {  	[smem:$0x3F9D] =	sst s1;
	(tag) =	ssettag s2;
	_ =	strace s9  }
0x27: {  	s1 =	sld [smem:$0x3FAD]  }
0x28: {  	s2 =	sld [smem:$0x3FAE]  }
0x29: {  	s4 =	sld [smem:$0x3FB0]  }
0x2a: {  	p0 =	seq.s32 s5, $0x0;
	s5 =	sld [smem:$0x3FB1]  }
0x2b: {  	s6 =	sld [smem:$0x3FB2]  }
0x2c: {  	s7 =	sld [smem:$0x3FB3]  }
0x2d: {  	s3 =	simm.s32 $0x108;
	s8 =	sld [smem:$0x3FB4]  }
0x2e: {  	s3 =	simm.s32 @!p0 $0x1082;
	s9 =	sld [smem:$0x3FB5]  }
0x2f: {  	lr =	sadd.s32 s0, s3;
	s0 =	sld [smem:$0x3FAC]  }
0x30: {  	s3 =	sld [smem:$0x3FAF]  }
0x31: {  	[smem:$0x3FB8] =	sst s10  }
0x32: {  	s10 =	sld [smem:$0x3FB6];
	_ =	sdelay $0x3  }
0x33: {  	p0 =	seq.s32 s10, $0x1;
	s10 =	sld [smem:$0x3FB8];
	_ =	sdelay $0x3  }
0x34: {  	[smem:$0x3FB8] =	sst s10  }
0x35: {  	s10 =	sld [smem:$0x3FB7];
	_ =	sdelay $0x3  }
0x36: {  	p1 =	seq.s32 s10, $0x1;
	s10 =	sld [smem:$0x3FB8];
	_ =	sdelay $0x3  }
0x37: {  	[smem:$0x3FB8] =	sst s10  }
0x38: {  	s10 =	sld [smem:$0x3FB9]  }
0x39: {  	_ = 	snop;
	(pc) =	sbr.ind lr, $3  }
0x3a: {  	_ = 	snop  }
0x3b: {  	_ = 	snop  }
0x3c: {  	p2 =	seq.s32 s10, $0x1;
	s10 =	sld [smem:$0x3FB8]  }
0x3d: {  	_ =	shalt  }
0x3e: {  	_ =	shalt  }
0x3f: {  	_ =	shalt  }
0x40: {  	_ =	shalt  }
0x41: {  	_ =	shalt  }
0x42: {  	_ =	shalt  }
0x43: {  	_ =	shalt  }
0x44: {  	_ =	shalt  }
0x45: {  	_ =	shalt  }
0x46: {  	_ =	shalt  }
0x47: {  	_ =	shalt  }
0x48: {  	_ =	shalt  }
0x49: {  	_ =	shalt  }
0x4a: {  	_ =	shalt  }
0x4b: {  	_ =	shalt  }
0x4c: {  	_ =	shalt  }
0x4d: {  	_ =	shalt  }
0x4e: {  	_ =	shalt  }
0x4f: {  	_ =	shalt  }
0x50: {  	_ =	shalt  }
0x51: {  	_ =	shalt  }
0x52: {  	_ =	shalt  }
0x53: {  	_ =	shalt  }
0x54: {  	_ =	shalt  }
0x55: {  	_ =	shalt  }
0x56: {  	_ =	shalt  }
0x57: {  	_ =	shalt  }
0x58: {  	_ =	shalt  }
0x59: {  	_ =	shalt  }
0x5a: {  	_ =	shalt  }
0x5b: {  	_ =	shalt  }
0x5c: {  	_ =	shalt  }
0x5d: {  	_ =	shalt  }
0x5e: {  	_ =	shalt  }
0x5f: {  	_ =	shalt  }
0x60: {  	_ =	shalt  }
0x61: {  	_ =	shalt  }
0x62: {  	_ =	shalt  }
0x63: {  	_ =	shalt  }
0x64: {  	_ =	shalt  }
0x65: {  	_ =	shalt  }
0x66: {  	_ =	shalt  }
0x67: {  	_ =	shalt  }
0x68: {  	_ =	shalt  }
0x69: {  	_ =	shalt  }
0x6a: {  	_ =	shalt  }
0x6b: {  	_ =	shalt  }
0x6c: {  	_ =	shalt  }
0x6d: {  	_ =	shalt  }
0x6e: {  	_ =	shalt  }
0x6f: {  	_ =	shalt  }
0x70: {  	_ =	shalt  }
0x71: {  	_ =	shalt  }
0x72: {  	_ =	shalt  }
0x73: {  	_ =	shalt  }
0x74: {  	_ =	shalt  }
0x75: {  	_ =	shalt  }
0x76: {  	_ =	shalt  }
0x77: {  	_ =	shalt  }
0x78: {  	_ =	shalt  }
0x79: {  	_ =	shalt  }
0x7a: {  	_ =	shalt  }
0x7b: {  	_ =	shalt  }
0x7c: {  	_ =	shalt  }
0x7d: {  	_ =	shalt  }
0x7e: {  	_ =	shalt  }
0x7f: {  	_ =	shalt  }
0x80: {  	_ =	shalt  }
0x81: {  	_ =	shalt  }
0x82: {  	_ =	shalt  }
0x83: {  	_ =	shalt  }
0x84: {  	_ =	shalt  }
0x85: {  	_ =	shalt  }
0x86: {  	_ =	shalt  }
0x87: {  	_ =	shalt  }
.Lfunc_end0:
.L_simem_size_0:
called_computation_lowered:
.L_overlay_start_0:
0x88: {  	s0 =	sld [smem:$0x3FD9]  }
0x89: {  	s1 =	sld [smem:$0x3FFE];
	_ =	sdelay $0x3  }
0x8a: {  	s0 =	sadd.s32 s1, s0  }
0x8b: {  	[smem:$0x3FC4] =	sst s0  }
0x8c: {  	_ = 	snop  }
0x8d: {  	(tm) =	ssettm $0x1  }
0x8e: {  	s15 =	sld [smem:$0x3FFB];
	_ =	sdelay $0x3  }
0x8f: {  	_ =	strace s15  }
0x90: {  	s0 =	sld [smem:$0x3FFC];
	_ =	sdelay $0x3  }
0x91: {  	_ =	strace s0  }
0x92: {  	s0 =	sld [smem:$0x3FFD];
	_ =	sdelay $0x3  }
0x93: {  	_ =	strace s0  }
0x94: {  	_ =	strace $0x8FFFFFFF  }
0x95: {  	s16 =	sld [smem:$0x3FDB];
	_ =	sdelay $0x1  }
0x96: {  	s17 =	simm.s32 $_scs_section_size  }
0x97: {  	s2 =	simm.s32 $_size__tile_overlayer_lowered;
	s3 =	simm.s32 $_tile_overlayer_lowered  }
0x98: {  	s20 =	simm.s32 $0x1BFF;
	s19 =	sshll.u32 s3, $0x1;
	s0 =	sadd.s32 s17, s16  }
0x99: {  	s4 =	simm.s32 $0x0;
	s18 =	sshll.u32 s2, $0x1;
	s2 =	sadd.s32 s19, s0  }
0x9a: {  	[timem:s4], [sflag:s20] =	dma.local [hbm:s2], s18  }
0x9b: {  	_ =	swait.ge [sflag:s20], s18  }
0x9c: {  	s1 =	ssub.s32 $0x0, s18;
	[sflag:s20] =	ssyncset.done $0x0  }
0x9d: {  	[sflag:s20] =	ssyncadd.s32 s1;
	_ =	sdelay $0x1  }
0x9e: {  	s21 =	simm.s32 $0x1B8B  }
0x9f: {  	_ =	swait.ge [sflag:s21], $0x1  }
0xa0: {  	[sflag:s21] =	ssyncset.done $0x0  }
0xa1: {  	s23 =	simm.s32 $0x1B8E;
	s22 =	sld [smem:$0x3FFE];
	[sflag:s21] =	ssyncadd.s32 $0xFFFFFFFF  }
0xa2: {  	s24 =	simm.s32 $execute0_lowered;
	[smem:$0x3FD2] =	sst s23  }
0xa3: {  	s2 =	sshll.u32 s24, $0x1;
	_ =	strace $0x80000049;
	[dreg:$0x1] =	wrdreg $0xFFFFFFFF  }
0xa4: {  	s25 =	simm.s32 $_size_execute0_lowered;
	s0 =	sadd.s32 s0, s2;
	[dreg:$0x0] =	wrdreg $0x0  }
0xa5: {  	s2 =	sshll.u32 s25, $0x1;
	[dreg:$0x2] =	wrdreg s0  }
0xa6: {  	[dreg:$0x3] =	wrdreg s2  }
0xa7: {  	[dreg:$0x4] =	wrdreg $0xC0  }
0xa8: {  	_ =	task [dreg:s4], $0x5FFFF  }
0xa9: {  	[dreg:$0x1] =	wrdreg $0xFFFFFFFF  }
0xaa: {  	[dreg:$0x0] =	wrdreg $0x60  }
0xab: {  	[dreg:$0x2] =	wrdreg s22  }
0xac: {  	[dreg:$0x3] =	wrdreg $0x9  }
0xad: {  	_ =	task.clear_ibuf [dreg:s4], $0x4FFFF;
	_ =	strace $0x90000049  }
0xae: {  	s26 =	simm.s32 $0x9;
	_ =	strace $0x8000004B  }
0xaf: {  	_ =	swait.ge [sflag:s26], $0x1  }
0xb0: {  	[sflag:s26] =	ssyncadd.s32 $0xFFFFFFFF  }
0xb1: {  	_ =	strace $0x9000004B  }
0xb2: {  	_ =	sfence  }
0xb3: {  	s28 =	sld [smem:$0x0];
	_ =	sdelay $0x1  }
0xb4: {  	s29 =	srdreg.scid  }
0xb5: {  	s30 =	sshll.u32 s29, $0xD;
	s31 =	sshrl.u32 s29, $0x2  }
0xb6: {  	s1 =	sand.u32 $0x1, s29;
	s2 =	sand.u32 $0x4000, s30;
	s0 =	sadd.s32 s31, s28  }
0xb7: {  	s1 =	sor.u32 s2, s1;
	s0 =	sshll.u32 s0, $0x11  }
0xb8: {  	s0 =	sor.u32 s0, s1  }
0xb9: {  	s0 =	sadd.s32 $0x8F2B, s0  }
0xba: {  	[sflag:s0] =	ssyncadd.remote.s32 $0x1  }
0xbb: {  	_ =	sfence.sel $0xFFFF  }
0xbc: {  	[dreg:$0x0] =	wrdreg $0xFFFFFFFF;
	(pc) =	sbr.abs _section_cstart, $3  }
0xbd: {  	[dreg:$0x1] =	wrdreg $0xFFFFFFFF  }
0xbe: {  	_ =	task.clear_ibuf [dreg:s4], $0x2FFFF;
	_ =	strace $0x9FFFFFFF  }
0xbf: {  	(tm) =	ssettm $0x7FFFFFFF  }
tec
execute0_lowered:
.L_overlay_start_1:
0x0: {  	(tag) =	ssettag $0x1  }
0x1: {  	s2 =	rddreg [dreg:$0x0]  }
0x2: {  	s0 =	rddreg [dreg:$0x1];
	_ =	strace $0x8000004A;
	s3 =	stileid.u32  }
0x3: {  	s4 =	simm.s32 $0x3E;
	s1 =	sadd.s32 $0x21800, s2;
	p0 =	sne.s32 s3, $0x0  }
0x4: {  	[sflag:s4] =	ssyncpa.u1 $0x0;
	s5 =	simm.s32 @!p0 $0x1C3E;
	s6 =	simm.s32 @!p0 $0x0  }
0x5: {  	[spmem:s6], [sflag:s5] =	dma.local @!p0 [hbm:s1], $0x10  }
0x6: {  	s5 =	simm.s32 @!p0 $0x3E  }
0x7: {  	_ =	swait.ge @!p0 [sflag:s5], $0x10  }
0x8: {  	[sflag:s5] =	ssyncset.done @!p0 $0x0  }
0x9: {  	s26 =	simm.s32 $0x1;
	[sflag:s5] =	ssyncadd.s32 @!p0 $0xFFFFFFF0  }
0xa: {  	s29 =	simm.s32 $0x2;
	s7 =	simm.s32 $0x408;
	[bflag:$0x0] =	sbarrier.arrive $0xFFFF  }
0xb: {  	s28 =	sadd.s32 $0x1000, s2;
	s30 =	sadd.s32 $0x800, s2;
	[sflag:s4] =	ssyncpa.u1 $0x1  }
0xc: {  	s3 =	sshll.u32 s3, $0x7;
	s2 =	simm.s32 $0x0;
	[sflag:s26] =	ssyncpa.u1 $0x0  }
0xd: {  	s4 =	sadd.s32 s28, s3;
	(ifvalue) =	ssetifvalue $0x80;
	[sflag:s29] =	ssyncpa.u1 $0x0  }
0xe: {  	[tilespmem:s7], [sflag:$0x2] =	stream.linear.gather [hbm4b:s4+s2], $0x400, $0x38;
	[tilespmem:$0x1008] =	vst v63  }
0xf: {  	s31 =	sadd.s32 s30, s3;
	s3 =	simm.s32 $0xC08  }
0x10: {  	[tilespmem:s3], [sflag:$0x2] =	stream.linear.gather [hbm4b:s31+s2], $0x400, $0x38;
	[tilespmem:$0x1008] =	vst v63  }
0x11: {  	_ =	swait.ge [sflag:s29], $0x800  }
0x12: {  	[sflag:s29] =	ssyncset.done $0x0  }
0x13: {  	[sflag:s29] =	ssyncadd.s32 $0xFFFFF800  }
0x14: {  	v0 =	vld.msk [tilespmem:s7+$0x0 ss:$0x1], $0xffff;
	_ =	sdelay $0x4  }
0x15: {  	v0 =	vmin.u32 v0, $0x80;
	_ =	sdelay $0x3  }
0x16: {  	vm0 =	vmmov $0xffff;
	s5 =	simm.s32 $0x418;
	s4 =	simm.s32 $0x0  }
0x17: {  	[spmem:s2] =	stream.indirect_vreg.scatter.add.s32 [tilespmem:s3], [sflag:$0x1], $0x1, v0, vm0, $0x4038;
	[tilespmem:$0x1008] =	vst v63  }
.LBB2_1:
0x18: {  	v0 =	vld.msk [tilespmem:s5+$0x0 ss:$0x1], $0xffff;
	s4 =	sadd.s32 $0x10, s4  }
0x19: {  	p1 =	slt.u32 s4, $0x3F0;
	_ =	sdelay $0x4  }
0x1a: {  	v0 =	vmin.u32 v0, $0x80  }
.Ltmp0:
0x1b: {  	(pc) =	sbr.rel @p1 .LBB2_1-.Ltmp0, $3  }
0x1c: {  	_ =	sdelay $0x1  }
0x1d: {  	s5 =	sadd.s32 $0x10, s5;
	s3 =	sadd.s32 $0x10, s3  }
0x1e: {  	[spmem:s2] =	stream.indirect_vreg.scatter.add.s32 [tilespmem:s3], [sflag:$0x1], $0x1, v0, vm0, $0x4038;
	[tilespmem:$0x1008] =	vst v63  }
0x1f: {  	s2 =	simm.s32 $0x1  }
0x20: {  	_ =	swait.ge [sflag:s2], $0x400  }
0x21: {  	[sflag:s2] =	ssyncset.done $0x0  }
0x22: {  	[sflag:s2] =	ssyncadd.s32 $0xFFFFFC00  }
0x23: {  	_ =	sfence.sel $0x180000  }
0x24: {  	s3 =	simm.s32 $0x2;
	[bflag:$0x0] =	sbarrier.arrive $0xFFFF  }
0x25: {  	[sflag:s3] =	ssyncpa.u1 $0x1  }
0x26: {  	[sflag:s2] =	ssyncpa.u1 $0x1  }
0x27: {  	_ =	sfence.stream.spmem  }
0x28: {  	s31 =	simm.s32 $0x3D;
	[bflag:$0x0] =	sbarrier.arrive $0xFFFF  }
0x29: {  	s2 =	simm.s32 @p0 $0x3D;
	[sflag:s31] =	ssyncpa.u1 $0x0  }
0x2a: {  	[sflag:s2] =	ssyncpa.u1 @p0 $0x1  }
0x2b: {  	[bflag:$0x0] =	sbarrier.arrive @p0 $0xFFFF  }
0x2c: {  	_ =	strace @p0 $0x9000004A  }
0x2d: {  	s3 =	simm.s32 @!p0 $0x1C3D;
	s2 =	simm.s32 @!p0 $0x0;
	[bflag:$0x2] =	sbarrier.arrive @p0 $0xFFFF  }
0x2e: {  	[hbm:s1], [sflag:s3] =	dma.local @!p0 [spmem:s2], $0x10  }
0x2f: {  	s1 =	simm.s32 @!p0 $0x3D  }
0x30: {  	_ =	swait.ge @!p0 [sflag:s1], $0x10  }
0x31: {  	[sflag:s1] =	ssyncset.done @!p0 $0x0  }
0x32: {  	[sflag:s1] =	ssyncadd.s32 @!p0 $0xFFFFFFF0  }
0x33: {  	[sflag:s1] =	ssyncpa.u1 @!p0 $0x1  }
0x34: {  	[bflag:$0x0] =	sbarrier.arrive @!p0 $0xFFFF  }
0x35: {  	_ =	strace @!p0 $0x9000004A  }
0x36: {  	s0 =	sadd.s32 @!p0 $0x100000, s0;
	[bflag:$0x2] =	sbarrier.arrive @!p0 $0xFFFF  }
0x37: {  	[sflag:s0] =	ssyncadd.tile.s32 @!p0 $0x1;
	_ =	shalt  }
.Lfunc_end2:
_tile_overlayer_lowered:
.L_overlay_start_2:
0x38: {  	(tag) =	ssettag $0x2  }
0x39: {  	s0 =	rddreg [dreg:$0x0];
	s2 =	stileid.u32  }
0x3a: {  	s1 =	rddreg [dreg:$0x1];
	p0 =	sne.s32 s2, $0x0  }
0x3b: {  	s3 =	rddreg [dreg:$0x2];
	[bflag:$0x3] =	sbarrier.arrive $0xFFFF;
	s2 =	simm.s32 @!p0 $0x1C01  }
0x3c: {  	[timem:s3], [sflag:s2] =	dma.local @!p0 [hbm:s0], s1  }
0x3d: {  	s0 =	simm.s32 @!p0 $0x1  }
0x3e: {  	_ =	swait.ge @!p0 [sflag:s0], s1  }
0x3f: {  	s1 =	ssub.s32 @!p0 $0x0, s1;
	[sflag:s0] =	ssyncset.done @!p0 $0x0  }
0x40: {  	[sflag:s0] =	ssyncadd.s32 @!p0 s1  }
0x41: {  	[bflag:$0x3] =	sbarrier.arrive $0xFFFF  }
0x42: {  	_ =	shalt  }

// kernel: sparse-core-data-format-call.cloned.1.call-start
scs
called_computation.1_lowered:
.L_overlay_start_0:
0x0: {  	s2 =	sld [smem:$0x3FD9]  }
0x1: {  	s3 =	sld [smem:$0x3FFE];
	_ =	sdelay $0x1  }
0x2: {  	s1 =	srdreg.scid  }
0x3: {  	s0 =	sand.u32 $0x1, s1  }
0x4: {  	s18 =	sshll.u32 s0, $0xA;
	s2 =	sadd.s32 s3, s2  }
0x5: {  	s2 =	sadd.s32 s2, s18  }
0x6: {  	[smem:$0x3FC4] =	sst s2  }
0x7: {  	_ = 	snop  }
0x8: {  	s2 =	sld [smem:$0x3FD0];
	(tm) =	ssettm $0x1  }
0x9: {  	s19 =	sld [smem:$0x3FFB];
	_ =	sdelay $0x3  }
0xa: {  	_ =	strace s19  }
0xb: {  	s3 =	sld [smem:$0x3FFC];
	_ =	sdelay $0x3  }
0xc: {  	_ =	strace s3  }
0xd: {  	s3 =	sld [smem:$0x3FFD];
	_ =	sdelay $0x3  }
0xe: {  	_ =	strace s3  }
0xf: {  	_ =	strace $0x8FFFFFFF  }
0x10: {  	s20 =	sld [smem:$0x3FDB];
	_ =	sdelay $0x1  }
0x11: {  	s4 =	simm.s32 $_scs_section_size  }
0x12: {  	s5 =	simm.s32 $_size__tile_overlayer_lowered;
	s6 =	simm.s32 $_tile_overlayer_lowered  }
0x13: {  	s23 =	simm.s32 $0x1BFF;
	s22 =	sshll.u32 s6, $0x1;
	s3 =	sadd.s32 s4, s20  }
0x14: {  	s7 =	simm.s32 $0x0;
	s21 =	sshll.u32 s5, $0x1;
	s5 =	sadd.s32 s22, s3  }
0x15: {  	[timem:s7], [sflag:s23] =	dma.local [hbm:s5], s21  }
0x16: {  	_ =	swait.ge [sflag:s23], s21  }
0x17: {  	s4 =	ssub.s32 $0x0, s21;
	[sflag:s23] =	ssyncset.done $0x0  }
0x18: {  	[sflag:s23] =	ssyncadd.s32 s4;
	_ =	sdelay $0x1  }
0x19: {  	s24 =	simm.s32 $0x1B8B  }
0x1a: {  	_ =	swait.ge [sflag:s24], $0x1  }
0x1b: {  	[sflag:s24] =	ssyncset.done $0x0  }
0x1c: {  	s26 =	simm.s32 $0x1B8E;
	s25 =	sld [smem:$0x3FFE];
	[sflag:s24] =	ssyncadd.s32 $0xFFFFFFFF  }
0x1d: {  	s27 =	simm.s32 $execute0_lowered;
	[smem:$0x3FD2] =	sst s26  }
0x1e: {  	s5 =	sshll.u32 s27, $0x1;
	_ =	strace $0x80000052;
	[dreg:$0x1] =	wrdreg $0xFFFFFFFF  }
0x1f: {  	s28 =	simm.s32 $_size_execute0_lowered;
	s3 =	sadd.s32 s3, s5;
	[dreg:$0x0] =	wrdreg $0x0  }
0x20: {  	s5 =	sshll.u32 s28, $0x1;
	[dreg:$0x2] =	wrdreg s3  }
0x21: {  	[dreg:$0x3] =	wrdreg s5  }
0x22: {  	[dreg:$0x4] =	wrdreg $0xC0  }
0x23: {  	_ =	task [dreg:s7], $0x5FFFF  }
0x24: {  	[dreg:$0x1] =	wrdreg $0xFFFFFFFF  }
0x25: {  	[dreg:$0x0] =	wrdreg $0x60  }
0x26: {  	[dreg:$0x2] =	wrdreg s25  }
0x27: {  	[dreg:$0x3] =	wrdreg s2  }
0x28: {  	[dreg:$0x4] =	wrdreg $0x9  }
0x29: {  	_ =	task.clear_ibuf [dreg:s7], $0x5FFFF;
	_ =	strace $0x90000052  }
0x2a: {  	s29 =	simm.s32 $0x9;
	_ =	strace $0x80000054  }
0x2b: {  	_ =	swait.ge [sflag:s29], $0x1  }
0x2c: {  	[sflag:s29] =	ssyncadd.s32 $0xFFFFFFFF  }
0x2d: {  	_ =	strace $0x90000054  }
0x2e: {  	_ =	sfence  }
0x2f: {  	s30 =	sld [smem:$0x0];
	_ =	sdelay $0x2  }
0x30: {  	s31 =	sshll.u32 s1, $0xD;
	s1 =	sshrl.u32 s1, $0x2  }
0x31: {  	s3 =	sand.u32 $0x4000, s31;
	s1 =	sadd.s32 s1, s30  }
0x32: {  	s0 =	sor.u32 s3, s0;
	s1 =	sshll.u32 s1, $0x11  }
0x33: {  	s0 =	sor.u32 s1, s0  }
0x34: {  	s0 =	sadd.s32 $0x8F2B, s0  }
0x35: {  	[sflag:s0] =	ssyncadd.remote.s32 $0x1  }
0x36: {  	_ =	sfence.sel $0xFFFF  }
0x37: {  	[dreg:$0x0] =	wrdreg $0xFFFFFFFF;
	(pc) =	sbr.abs _section_cstart, $3  }
0x38: {  	[dreg:$0x1] =	wrdreg $0xFFFFFFFF  }
0x39: {  	_ =	task.clear_ibuf [dreg:s7], $0x2FFFF;
	_ =	strace $0x9FFFFFFF  }
0x3a: {  	(tm) =	ssettm $0x7FFFFFFF  }
0x3b: {  	_ =	shalt  }
tec
execute0_lowered:
.L_overlay_start_1:
0x0: {  	(tag) =	ssettag $0x1  }
0x1: {  	s0 =	srdreg.scid;
	s2 =	rddreg [dreg:$0x0]  }
0x2: {  	s3 =	rddreg [dreg:$0x1];
	s5 =	simm.s32 $0x1;
	s1 =	sshll.u32 s0, $0x4  }
0x3: {  	s7 =	simm.s32 $0x2;
	s0 =	stileid.u32;
	s1 =	sand.u32 $0x10, s1  }
.Ltmp0:
0x4: {  	s11 =	simm.s32 $0x0;
	s4 =	sor.u32 s0, s1;
	(pc) =	sbr.rel .LBB1_1-.Ltmp0, $4  }
0x5: {  	p0 =	por $0x0, $0x0;
	s8 =	simm.s32 $0x7A1400;
	s4 =	sshll.u32 s4, $0x7  }
0x6: {  	s1 =	rddreg [dreg:$0x2];
	_ =	strace $0x80000053;
	s6 =	ssub.s32 $0xF4200, s4  }
0x7: {  	s10 =	simm.s32 $0x0;
	[sflag:s5] =	ssyncpa.u1 $0x0;
	s6 =	sshrl.u32 s6, $0xC  }
0x8: {  	[sflag:s7] =	ssyncpa.u1 $0x0;
	s9 =	smov.u32 s4;
	s7 =	sadd.s32 $0x2, s6  }
.LBB1_5:
0x9: {  	s13 =	sadd.s32 $0x1000, s9  }
0xa: {  	p2 =	sgt.s32 s13, $0xF423F  }
0xb: {  	s13 =	smov.u32 @p2 s4;
	p2 =	sne.s32 s10, s7  }
.Ltmp1:
0xc: {  	p1 =	slt.u32 s10, $0x2;
	(pc) =	sbr.rel @!p2 .LBB1_6-.Ltmp1, $4  }
0xd: {  	s12 =	simm.s32 @!p1 $0x2  }
0xe: {  	s14 =	sadd.s32 $0x1, s10;
	_ =	swait.ge @!p1 [sflag:s12], $0x2000  }
0xf: {  	s11 =	smov.u32 s9;
	p0 =	por !p0, !p0;
	[sflag:s12] =	ssyncset.done @!p1 $0x0  }
0x10: {  	s10 =	smov.u32 s14;
	s9 =	smov.u32 s13;
	[sflag:s12] =	ssyncadd.s32 @!p1 $0xFFFFE000  }
.LBB1_1:
0x11: {  	p1 =	sgt.u32 s10, s6  }
0x12: {  	s13 =	smov.u32 s9;
	p2 =	sgt.s32 @!p1 s9, $0xF41C0  }
0x13: {  	s12 =	sand.u32 @!p1 $0x1FFFFFF, s9;
	s14 =	sshra.s32 @!p1 s9, $0x1F;
	p2 =	por !p2, p1  }
0x14: {  	s15 =	smulhi.u32 @!p1 $0x218DEF5, s12;
	s14 =	sand.u32 @!p1 s14, s9;
	s13 =	simm.s32 @p2 $0xF41C0  }
0x15: {  	s13 =	ssub.s32 @!p1 s13, s14  }
0x16: {  	s14 =	sshrl.u32 @!p1 s15, $0xD;
	s13 =	sadd.s32 @!p1 $0xFFF0BE40, s13  }
0x17: {  	s15 =	sxor.u32 @!p1 $0xFFFFFFFF, s10;
	s14 =	smul.u32 @!p1 $0xF4240, s14;
	s16 =	sshll.u32 @!p1 s13, $0x8  }
0x18: {  	s15 =	sshll.u32 @!p1 s15, $0xD;
	p2 =	sgt.s32 @!p1 s13, $0x7F;
	s13 =	ssub.s32 @!p1 $0x8000, s16  }
0x19: {  	s12 =	ssub.s32 @!p1 s12, s14;
	p2 =	por !p2, p1;
	s14 =	sand.u32 @!p1 $0x2000, s15  }
0x1a: {  	s15 =	simm.s32 @!p1 $0x40;
	s13 =	sshrl.u32 @!p1 s13, $0x2;
	s12 =	sshll.u32 @!p1 s12, $0x4  }
0x1b: {  	s16 =	simm.s32 @!p1 $0x80;
	s13 =	simm.s32 @!p2 $0x0;
	s12 =	sadd.s32 @!p1 s2, s12  }
0x1c: {  	[tilespmem:s14], [sflag:$0x1] =	stream.strided.gather @!p1 [hbm4b:s12+s15], s13, s16, s15, $0x38;
	[tilespmem:$0x8080] =	vst v63  }
0x1d: {  	p1 =	seq.s32 s10, $0x0  }
0x1e: {  	p2 =	sge.u32 @!p1 s10, s7  }
0x1f: {  	p1 =	por p1, p2  }
.Ltmp2:
0x20: {  	_ = 	snop;
	(pc) =	sbr.rel @p1 .LBB1_5-.Ltmp2, $1  }
0x21: {  	_ =	sdelay $0x3  }
0x22: {  	p1 =	sgt.s32 s11, $0xF41C0;
	s12 =	smov.u32 s11;
	s13 =	sshra.s32 s11, $0x1F  }
0x23: {  	s12 =	simm.s32 @!p1 $0xF41C0;
	s13 =	sand.u32 s13, s11  }
0x24: {  	s12 =	ssub.s32 s12, s13  }
0x25: {  	s12 =	sadd.s32 $0xFFF0BE40, s12  }
0x26: {  	s28 =	sshll.u32 s12, $0x8  }
0x27: {  	s13 =	ssub.s32 $0x8000, s28  }
0x28: {  	p1 =	sgt.s32 s12, $0x7F;
	s12 =	sshrl.u32 s13, $0x2  }
0x29: {  	s13 =	simm.s32 $0x1;
	s12 =	simm.s32 @p1 $0x0  }
0x2a: {  	s13 =	simm.s32 @!p0 $0x0;
	_ =	swait.ge [sflag:s5], s12  }
0x2b: {  	s14 =	sshll.u32 s13, $0xD;
	s12 =	ssub.s32 $0x0, s12;
	[sflag:s5] =	ssyncset.done $0x0  }
0x2c: {  	s16 =	sor.u32 $0x20, s14;
	[sflag:s5] =	ssyncadd.s32 s12  }
0x2d: {  	s29 =	smul.u32 $0x8100, s13;
	v3 =	vld [tilespmem:s16+$0x10]  }
0x2e: {  	s30 =	sand.u32 $0x1, s10;
	v2 =	vld [tilespmem:s16+$0xFFFFFFF0]  }
0x2f: {  	s13 =	smul.u32 $0x8100, s30;
	s12 =	sshrl.u32 s29, $0x2;
	v0 =	vld [tilespmem:s16+$0x0]  }
0x30: {  	s14 =	sor.u32 $0x4000, s12;
	v1 =	vld [tilespmem:s16+$0xFFFFFFE0]  }
0x31: {  	s31 =	sshrl.u32 s13, $0x2;
	s13 =	sadd.s32 $0x0, s14  }
0x32: {  	s15 =	simm.s32 $0x4;
	s12 =	sor.u32 $0x4000, s31;
	s16 =	sadd.s32 $0x40, s16;
	[tilespmem:s13+$0x1830 ss:$0x81] =	vst.msk $0xffff, v3  }
.LBB1_3:
0x33: {  	v3 =	vld [tilespmem:s16+$0x10];
	p1 =	sne.s32 s15, $0x1FC;
	[tilespmem:s13+$0x810 ss:$0x81] =	vst.msk $0xffff, v2;
	s17 =	smov.u32 s15;
	s15 =	sadd.s32 $0x4, s15  }
.Ltmp3:
0x34: {  	v2 =	vld [tilespmem:s16+$0xFFFFFFF0];
	[tilespmem:s13+$0x1020 ss:$0x81] =	vst.msk $0xffff, v0;
	(pc) =	sbr.rel @p1 .LBB1_3-.Ltmp3, $4  }
0x35: {  	v0 =	vld [tilespmem:s16+$0x0];
	[tilespmem:s13+$0x0 ss:$0x81] =	vst.msk $0xffff, v1  }
0x36: {  	s13 =	sshra.s32 s17, $0x2;
	v1 =	vld [tilespmem:s16+$0xFFFFFFE0]  }
0x37: {  	s13 =	sadd.s32 s13, s14  }
0x38: {  	s16 =	sadd.s32 $0x40, s16;
	[tilespmem:s13+$0x1830 ss:$0x81] =	vst.msk $0xffff, v3  }
0x39: {  	s14 =	sshll.u32 s11, $0x3  }
0x3a: {  	s30 =	sand.u32 $0x7F, s11;
	s14 =	sand.u32 $0xFFFFFC00, s14  }
0x3b: {  	s11 =	sor.u32 s30, s14  }
0x3c: {  	s15 =	smulhi.u32 $0x218D6287, s11;
	_ =	sdelay $0x1  }
0x3d: {  	s14 =	smulhi.u32 $0x218D6287, s14;
	s15 =	sshrl.u32 s15, $0x11  }
0x3e: {  	s15 =	smul.u32 $0xF4280, s15  }
0x3f: {  	s14 =	sshrl.u32 s14, $0x11  }
.Ltmp4:
0x40: {  	s14 =	sand.u32 $0x3F, s14;
	s11 =	ssub.s32 s11, s15;
	(pc) =	sbr.rel .LBB1_5-.Ltmp4, $4  }
0x41: {  	[tilespmem:s13+$0x810 ss:$0x81] =	vst.msk $0xffff, v2;
	s14 =	smul.u32 $0x1E850, s14;
	s15 =	sshrl.u32 s11, $0x3;
	s11 =	sand.u32 $0x7, s11  }
0x42: {  	[tilespmem:s13+$0x1020 ss:$0x81] =	vst.msk $0xffff, v0;
	s15 =	sadd.s32 s3, s15;
	s11 =	sshll.u32 s11, $0x12  }
0x43: {  	[tilespmem:s13+$0x0 ss:$0x81] =	vst.msk $0xffff, v1;
	s31 =	sadd.s32 s14, s15;
	s11 =	sor.u32 $0x400, s11  }
0x44: {  	[hbm4b:s31+s11] =	stream.strided.scatter [tilespmem:s12], [sflag:$0x2], $0x2000, s8, s11, $0x20;
	[tilespmem:$0x8080] =	vst v63  }
.LBB1_6:
0x45: {  	_ =	sfence.sel $0x180000  }
0x46: {  	s2 =	simm.s32 $0x1;
	[bflag:$0x0] =	sbarrier.arrive $0xFFFF  }
0x47: {  	s31 =	simm.s32 $0x2;
	[sflag:s2] =	ssyncpa.u1 $0x1  }
0x48: {  	[sflag:s31] =	ssyncpa.u1 $0x1  }
0x49: {  	p0 =	sne.s32 s0, $0x0;
	_ =	strace $0x90000053  }
0x4a: {  	s0 =	sadd.s32 @!p0 $0x100000, s1;
	[bflag:$0x2] =	sbarrier.arrive $0xFFFF  }
0x4b: {  	[sflag:s0] =	ssyncadd.tile.s32 @!p0 $0x1;
	_ =	shalt  }
.Lfunc_end1:
_tile_overlayer_lowered:
.L_overlay_start_2:
0x4c: {  	(tag) =	ssettag $0x2  }
0x4d: {  	s0 =	rddreg [dreg:$0x0];
	s2 =	stileid.u32  }
0x4e: {  	s1 =	rddreg [dreg:$0x1];
	p0 =	sne.s32 s2, $0x0  }
0x4f: {  	s3 =	rddreg [dreg:$0x2];
	[bflag:$0x3] =	sbarrier.arrive $0xFFFF;
	s2 =	simm.s32 @!p0 $0x1C01  }
0x50: {  	[timem:s3], [sflag:s2] =	dma.local @!p0 [hbm:s0], s1  }
0x51: {  	s0 =	simm.s32 @!p0 $0x1  }
0x52: {  	_ =	swait.ge @!p0 [sflag:s0], s1  }
0x53: {  	s1 =	ssub.s32 @!p0 $0x0, s1;
	[sflag:s0] =	ssyncset.done @!p0 $0x0  }
0x54: {  	[sflag:s0] =	ssyncadd.s32 @!p0 s1  }
0x55: {  	[bflag:$0x3] =	sbarrier.arrive $0xFFFF  }
0x56: {  	_ =	shalt  }

</sc_bundles>
